<compile_context>
chip_gen: v7x
topology: tpu7x:2x2x1
jax: 0.10.2.dev20260603
libtpu: 0.0.44.dev20260713+nightly
codegen_flags: <defaults>
</compile_context>

<pallas_src>
import functools

import jax
import jax.numpy as jnp
from jax import lax
from jax.experimental import pallas as pl
from jax.experimental.pallas import tpu as pltpu
from jax.experimental.pallas import tpu_sc as plsc

_NUM_EMB = 1000
_EMB_DIM = 128
_BATCH = 16384
_MARGIN = 1.0
_EPS = 1e-6
_NPAD = 1024
_NHALF = _NPAD // 2
_NWORDS = _NHALF * _NPAD

_NC = 1
_NS = 16
_NW = _NC * _NS
_BPW = _BATCH // _NW
_CH = 128
_NCH = _BPW // _CH
_LANES = 16


def _sqrt16(x):
    xi = lax.bitcast_convert_type(x, jnp.int32)
    r = lax.bitcast_convert_type(
        jnp.int32(0x5F3759DF) - lax.shift_right_arithmetic(xi, 1), jnp.float32)
    for _ in range(3):
        r = r * (1.5 - 0.5 * x * r * r)
    return x * r


def _dist_matrix_body(t_ref, a_ref, p_ref, n_ref,
                      d_ref, iap_ref, ian_ref, sha_ref):
    av = a_ref[...]
    arow = (av & (_NHALF - 1)) * _NPAD
    iap_ref[...] = arow + p_ref[...]
    ian_ref[...] = arow + n_ref[...]
    sha_ref[...] = (1 - (av >> 9)) << 4

    t = jnp.concatenate(
        [t_ref[...], jnp.zeros((_NPAD - _NUM_EMB, _EMB_DIM), jnp.float32)], axis=0)
    sq = t * t
    n2c = jnp.sum(sq, axis=1, keepdims=True)
    rsc = jnp.sum(t, axis=1, keepdims=True)
    diag_val = _EMB_DIM * _EPS * _EPS
    u = n2c + (2.0 * _EPS) * rsc
    v = (n2c - (2.0 * _EPS) * rsc) + diag_val
    one = jnp.ones((_NPAD, 1), jnp.float32)
    lhs = jnp.concatenate([-2.0 * t, u, one], axis=1)
    rhs = jnp.concatenate([t, one, v], axis=1)
    dn = (((1,), (1,)), ((), ()))
    d2 = lax.dot_general(lhs, rhs, dn)
    bits = lax.bitcast_convert_type(d2, jnp.int32)
    r16 = lax.shift_right_logical(
        bits + 0x7FFF + (lax.shift_right_logical(bits, 16) & 1), 16)
    w = r16[:_NHALF] | lax.shift_left(r16[_NHALF:], 16)
    d_ref[...] = w.reshape(_NHALF * 8, 128)


def _sc_triplet_body(dpacked, iap_hbm, ian_hbm, sha_hbm, out_hbm,
                     iap, ian, sha, wap, wan, accv, sem1, sem2):
    wid = lax.axis_index("s") * _NC + lax.axis_index("c")
    base = wid * _BPW
    cp1 = pltpu.async_copy(iap_hbm.at[pl.ds(base, _BPW)], iap, sem1)
    cp2 = pltpu.async_copy(ian_hbm.at[pl.ds(base, _BPW)], ian, sem2)
    cp3 = pltpu.async_copy(sha_hbm.at[pl.ds(base, _BPW)], sha, sem1)
    cp1.wait()
    cp2.wait()
    copies = []
    for c in range(_NCH):
        sl = pl.ds(c * _CH, _CH)
        copies.append(pltpu.async_copy(dpacked.at[iap.at[sl]], wap.at[sl], sem1))
        copies.append(pltpu.async_copy(dpacked.at[ian.at[sl]], wan.at[sl], sem2))
    cp3.wait()

    mask = jnp.full((_LANES,), jnp.int32(-65536))

    def unpack(wv, sh):
        return lax.bitcast_convert_type(lax.shift_left(wv, sh) & mask,
                                        jnp.float32)

    def step(v, acc):
        sl = pl.ds(v * _LANES, _LANES)
        sh = sha[sl]
        d_ap = _sqrt16(jnp.maximum(unpack(wap[sl], sh), 0.0))
        d_an = _sqrt16(jnp.maximum(unpack(wan[sl], sh), 0.0))
        return acc + jnp.maximum(d_ap - d_an + _MARGIN, 0.0)

    for cp in copies:
        cp.wait()
    accv[...] = lax.fori_loop(0, _BPW // _LANES,
                              step, jnp.zeros((_LANES,), jnp.float32))
    pltpu.sync_copy(accv, out_hbm.at[wid])


_sc_triplet = functools.partial(
    pl.kernel,
    out_type=jax.ShapeDtypeStruct((_NW, _LANES), jnp.float32),
    mesh=plsc.VectorSubcoreMesh(core_axis_name="c", subcore_axis_name="s",
                                num_cores=_NC),
    scratch_types=[
        pltpu.VMEM((_BPW,), jnp.int32),
        pltpu.VMEM((_BPW,), jnp.int32),
        pltpu.VMEM((_BPW,), jnp.int32),
        pltpu.VMEM((_BPW,), jnp.int32),
        pltpu.VMEM((_BPW,), jnp.int32),
        pltpu.VMEM((_LANES,), jnp.float32),
        pltpu.SemaphoreType.DMA,
        pltpu.SemaphoreType.DMA,
    ],
)(_sc_triplet_body)


def kernel(a, p, n, emb_table):
    dist, iap, ian, sha = pl.pallas_call(
        _dist_matrix_body,
        out_shape=(
            jax.ShapeDtypeStruct((_NHALF * 8, 128), jnp.int32),
            jax.ShapeDtypeStruct((_BATCH,), jnp.int32),
            jax.ShapeDtypeStruct((_BATCH,), jnp.int32),
            jax.ShapeDtypeStruct((_BATCH,), jnp.int32),
        ),
    )(emb_table, a, p, n)
    partials = _sc_triplet(dist.reshape(_NWORDS), iap, ian, sha)
    return jnp.sum(partials) / _BATCH

# --- scband reference (transcript-rebuilt; emitter-appended) ---
"""Pipeline reference for scband-triplets-model-53085795779197 (READ-ONLY COPY).

The authoritative reference and input builder live on the scoring server;
editing this copy changes nothing except your own understanding.
"""

import jax, jax.numpy as jnp
import numpy as np

NUM_EMB = 1000
EMB_DIM = 128
BATCH = 16384
MARGIN = 1.0
EPS = 1e-6


def setup_inputs(seed: int = 0):
    key = jax.random.key(seed)
    ka, kp, kn, kw = jax.random.split(key, 4)
    a = jax.random.randint(ka, (BATCH,), 0, NUM_EMB, dtype=jnp.int32)
    p = jax.random.randint(kp, (BATCH,), 0, NUM_EMB, dtype=jnp.int32)
    n = jax.random.randint(kn, (BATCH,), 0, NUM_EMB, dtype=jnp.int32)
    # nn.Embedding default init: N(0, 1)
    emb_table = jax.random.normal(kw, (NUM_EMB, EMB_DIM), dtype=jnp.float32)
    return {"a": a, "p": p, "n": n, "emb_table": emb_table}


def _pairwise_dist(x, y):
    # torch.nn.functional.pairwise_distance with p=2, eps=1e-6
    return jnp.sqrt(jnp.sum((x - y + EPS) ** 2, axis=-1))


def reference(a, p, n, emb_table):
    ea = jnp.take(emb_table, a, axis=0)
    ep = jnp.take(emb_table, p, axis=0)
    en = jnp.take(emb_table, n, axis=0)
    d_ap = _pairwise_dist(ea, ep)
    d_an = _pairwise_dist(ea, en)
    # TripletMarginLoss, reduction='mean', swap=False
    return jnp.mean(jnp.maximum(d_ap - d_an + MARGIN, 0.0))

if __name__ == "__main__":
    import jax
    _d = setup_inputs()
    print(jax.jit(kernel)(*tuple(_d.values())))

</pallas_src>

<mosaic_0001>
#map = affine_map<(d0, d1) -> (0)>
#map1 = affine_map<(d0, d1) -> (0, 0)>
module attributes {stable_mosaic.version = 14 : i64} {
  func.func @_sc_triplet_body(%arg0: i32, %arg1: i32, %arg2: memref<524288xi32, #tpu.memory_space<hbm>>, %arg3: memref<16384xi32, #tpu.memory_space<hbm>>, %arg4: memref<16384xi32, #tpu.memory_space<hbm>>, %arg5: memref<16384xi32, #tpu.memory_space<hbm>>, %arg6: memref<16x16xf32, #tpu.memory_space<hbm>>, %arg7: memref<1024xi32, #tpu.memory_space<vmem>>, %arg8: memref<1024xi32, #tpu.memory_space<vmem>>, %arg9: memref<1024xi32, #tpu.memory_space<vmem>>, %arg10: memref<1024xi32, #tpu.memory_space<vmem>>, %arg11: memref<1024xi32, #tpu.memory_space<vmem>>, %arg12: memref<16xf32, #tpu.memory_space<vmem>>, %arg13: memref<!tpu.dma_semaphore, #tpu.memory_space<semaphore_mem>>, %arg14: memref<!tpu.dma_semaphore, #tpu.memory_space<semaphore_mem>>) attributes {dimension_semantics = [#tpu.dimension_semantics<core_parallel>, #tpu.dimension_semantics<subcore_parallel>], iteration_bounds = array<i64: 1, 16>, scalar_prefetch = 0 : i64, scratch_operands = 8 : i64, tpu.core_type = #tpu.core_type<sc_vector_subcore>, window_params = [{transform_indices = #map}, {transform_indices = #map}, {transform_indices = #map}, {transform_indices = #map}, {transform_indices = #map1}]} {
    %mul3A = arith.constant 1 : i32
    %mul3A_0 = arith.muli %arg1, %mul3A : i32
    %add3A = arith.addi %mul3A_0, %arg0 : i32
    %mul3A_1 = arith.constant 1024 : i32
    %mul3A_2 = arith.muli %add3A, %mul3A_1 : i32
    %dma_start3A = tpu.memref_slice %arg3[%mul3A_2] : memref<16384xi32, #tpu.memory_space<hbm>> -> memref<1024xi32, #tpu.memory_space<hbm>>
    %dma_start3A_3 = tpu.memref_slice %arg3[%mul3A_2] : memref<16384xi32, #tpu.memory_space<hbm>> -> memref<1024xi32, #tpu.memory_space<hbm>>
    tpu.enqueue_dma source(%dma_start3A_3 : memref<1024xi32, #tpu.memory_space<hbm>>) target(%arg7 : memref<1024xi32, #tpu.memory_space<vmem>>) target_semaphore(%arg13 : memref<!tpu.dma_semaphore, #tpu.memory_space<semaphore_mem>>)
    %dma_start3A_4 = tpu.memref_slice %arg4[%mul3A_2] : memref<16384xi32, #tpu.memory_space<hbm>> -> memref<1024xi32, #tpu.memory_space<hbm>>
    %dma_start3A_5 = tpu.memref_slice %arg4[%mul3A_2] : memref<16384xi32, #tpu.memory_space<hbm>> -> memref<1024xi32, #tpu.memory_space<hbm>>
    tpu.enqueue_dma source(%dma_start3A_5 : memref<1024xi32, #tpu.memory_space<hbm>>) target(%arg8 : memref<1024xi32, #tpu.memory_space<vmem>>) target_semaphore(%arg14 : memref<!tpu.dma_semaphore, #tpu.memory_space<semaphore_mem>>)
    %dma_start3A_6 = tpu.memref_slice %arg5[%mul3A_2] : memref<16384xi32, #tpu.memory_space<hbm>> -> memref<1024xi32, #tpu.memory_space<hbm>>
    %dma_start3A_7 = tpu.memref_slice %arg5[%mul3A_2] : memref<16384xi32, #tpu.memory_space<hbm>> -> memref<1024xi32, #tpu.memory_space<hbm>>
    tpu.enqueue_dma source(%dma_start3A_7 : memref<1024xi32, #tpu.memory_space<hbm>>) target(%arg9 : memref<1024xi32, #tpu.memory_space<vmem>>) target_semaphore(%arg13 : memref<!tpu.dma_semaphore, #tpu.memory_space<semaphore_mem>>)
    %dma_wait3A = tpu.memref_slice %arg3[%mul3A_2] : memref<16384xi32, #tpu.memory_space<hbm>> -> memref<1024xi32, #tpu.memory_space<hbm>>
    %dma_wait3A_8 = tpu.memref_slice %arg3[%mul3A_2] : memref<16384xi32, #tpu.memory_space<hbm>> -> memref<1024xi32, #tpu.memory_space<hbm>>
    tpu.wait_dma2 semaphore(%arg13 : memref<!tpu.dma_semaphore, #tpu.memory_space<semaphore_mem>>) src(%dma_wait3A_8 : memref<1024xi32, #tpu.memory_space<hbm>>) dst(%arg7 : memref<1024xi32, #tpu.memory_space<vmem>>)
    %dma_wait3A_9 = tpu.memref_slice %arg4[%mul3A_2] : memref<16384xi32, #tpu.memory_space<hbm>> -> memref<1024xi32, #tpu.memory_space<hbm>>
    %dma_wait3A_10 = tpu.memref_slice %arg4[%mul3A_2] : memref<16384xi32, #tpu.memory_space<hbm>> -> memref<1024xi32, #tpu.memory_space<hbm>>
    tpu.wait_dma2 semaphore(%arg14 : memref<!tpu.dma_semaphore, #tpu.memory_space<semaphore_mem>>) src(%dma_wait3A_10 : memref<1024xi32, #tpu.memory_space<hbm>>) dst(%arg8 : memref<1024xi32, #tpu.memory_space<vmem>>)
    %dma_start3A_11 = arith.constant 0 : i32
    %dma_start3A_12 = tpu.memref_slice %arg10[%dma_start3A_11] : memref<1024xi32, #tpu.memory_space<vmem>> -> memref<128xi32, #tpu.memory_space<vmem>>
    %dma_start3A_13 = arith.constant 0 : i32
    %dma_start3A_14 = tpu.memref_slice %arg7[%dma_start3A_13] : memref<1024xi32, #tpu.memory_space<vmem>> -> memref<128xi32, #tpu.memory_space<vmem>>
    %dma_start3A_15 = arith.constant 0 : i32
    %dma_start3A_16 = tpu.memref_slice %arg2[%dma_start3A_15] : memref<524288xi32, #tpu.memory_space<hbm>> -> memref<524288xi32, #tpu.memory_space<hbm>>
    tpu.enqueue_indirect_dma source(%dma_start3A_16 : memref<524288xi32, #tpu.memory_space<hbm>>) target(%dma_start3A_12 : memref<128xi32, #tpu.memory_space<vmem>>) offsets(%dma_start3A_14 : memref<128xi32, #tpu.memory_space<vmem>>) semaphore(%arg13 : memref<!tpu.dma_semaphore, #tpu.memory_space<semaphore_mem>>)
    %dma_start3A_17 = arith.constant 0 : i32
    %dma_start3A_18 = tpu.memref_slice %arg11[%dma_start3A_17] : memref<1024xi32, #tpu.memory_space<vmem>> -> memref<128xi32, #tpu.memory_space<vmem>>
    %dma_start3A_19 = arith.constant 0 : i32
    %dma_start3A_20 = tpu.memref_slice %arg8[%dma_start3A_19] : memref<1024xi32, #tpu.memory_space<vmem>> -> memref<128xi32, #tpu.memory_space<vmem>>
    %dma_start3A_21 = arith.constant 0 : i32
    %dma_start3A_22 = tpu.memref_slice %arg2[%dma_start3A_21] : memref<524288xi32, #tpu.memory_space<hbm>> -> memref<524288xi32, #tpu.memory_space<hbm>>
    tpu.enqueue_indirect_dma source(%dma_start3A_22 : memref<524288xi32, #tpu.memory_space<hbm>>) target(%dma_start3A_18 : memref<128xi32, #tpu.memory_space<vmem>>) offsets(%dma_start3A_20 : memref<128xi32, #tpu.memory_space<vmem>>) semaphore(%arg14 : memref<!tpu.dma_semaphore, #tpu.memory_space<semaphore_mem>>)
    %dma_start3A_23 = arith.constant 128 : i32
    %dma_start3A_24 = tpu.memref_slice %arg10[%dma_start3A_23] : memref<1024xi32, #tpu.memory_space<vmem>> -> memref<128xi32, #tpu.memory_space<vmem>>
    %dma_start3A_25 = arith.constant 128 : i32
    %dma_start3A_26 = tpu.memref_slice %arg7[%dma_start3A_25] : memref<1024xi32, #tpu.memory_space<vmem>> -> memref<128xi32, #tpu.memory_space<vmem>>
    %dma_start3A_27 = arith.constant 0 : i32
    %dma_start3A_28 = tpu.memref_slice %arg2[%dma_start3A_27] : memref<524288xi32, #tpu.memory_space<hbm>> -> memref<524288xi32, #tpu.memory_space<hbm>>
    tpu.enqueue_indirect_dma source(%dma_start3A_28 : memref<524288xi32, #tpu.memory_space<hbm>>) target(%dma_start3A_24 : memref<128xi32, #tpu.memory_space<vmem>>) offsets(%dma_start3A_26 : memref<128xi32, #tpu.memory_space<vmem>>) semaphore(%arg13 : memref<!tpu.dma_semaphore, #tpu.memory_space<semaphore_mem>>)
    %dma_start3A_29 = arith.constant 128 : i32
    %dma_start3A_30 = tpu.memref_slice %arg11[%dma_start3A_29] : memref<1024xi32, #tpu.memory_space<vmem>> -> memref<128xi32, #tpu.memory_space<vmem>>
    %dma_start3A_31 = arith.constant 128 : i32
    %dma_start3A_32 = tpu.memref_slice %arg8[%dma_start3A_31] : memref<1024xi32, #tpu.memory_space<vmem>> -> memref<128xi32, #tpu.memory_space<vmem>>
    %dma_start3A_33 = arith.constant 0 : i32
    %dma_start3A_34 = tpu.memref_slice %arg2[%dma_start3A_33] : memref<524288xi32, #tpu.memory_space<hbm>> -> memref<524288xi32, #tpu.memory_space<hbm>>
    tpu.enqueue_indirect_dma source(%dma_start3A_34 : memref<524288xi32, #tpu.memory_space<hbm>>) target(%dma_start3A_30 : memref<128xi32, #tpu.memory_space<vmem>>) offsets(%dma_start3A_32 : memref<128xi32, #tpu.memory_space<vmem>>) semaphore(%arg14 : memref<!tpu.dma_semaphore, #tpu.memory_space<semaphore_mem>>)
    %dma_start3A_35 = arith.constant 256 : i32
    %dma_start3A_36 = tpu.memref_slice %arg10[%dma_start3A_35] : memref<1024xi32, #tpu.memory_space<vmem>> -> memref<128xi32, #tpu.memory_space<vmem>>
    %dma_start3A_37 = arith.constant 256 : i32
    %dma_start3A_38 = tpu.memref_slice %arg7[%dma_start3A_37] : memref<1024xi32, #tpu.memory_space<vmem>> -> memref<128xi32, #tpu.memory_space<vmem>>
    %dma_start3A_39 = arith.constant 0 : i32
    %dma_start3A_40 = tpu.memref_slice %arg2[%dma_start3A_39] : memref<524288xi32, #tpu.memory_space<hbm>> -> memref<524288xi32, #tpu.memory_space<hbm>>
    tpu.enqueue_indirect_dma source(%dma_start3A_40 : memref<524288xi32, #tpu.memory_space<hbm>>) target(%dma_start3A_36 : memref<128xi32, #tpu.memory_space<vmem>>) offsets(%dma_start3A_38 : memref<128xi32, #tpu.memory_space<vmem>>) semaphore(%arg13 : memref<!tpu.dma_semaphore, #tpu.memory_space<semaphore_mem>>)
    %dma_start3A_41 = arith.constant 256 : i32
    %dma_start3A_42 = tpu.memref_slice %arg11[%dma_start3A_41] : memref<1024xi32, #tpu.memory_space<vmem>> -> memref<128xi32, #tpu.memory_space<vmem>>
    %dma_start3A_43 = arith.constant 256 : i32
    %dma_start3A_44 = tpu.memref_slice %arg8[%dma_start3A_43] : memref<1024xi32, #tpu.memory_space<vmem>> -> memref<128xi32, #tpu.memory_space<vmem>>
    %dma_start3A_45 = arith.constant 0 : i32
    %dma_start3A_46 = tpu.memref_slice %arg2[%dma_start3A_45] : memref<524288xi32, #tpu.memory_space<hbm>> -> memref<524288xi32, #tpu.memory_space<hbm>>
    tpu.enqueue_indirect_dma source(%dma_start3A_46 : memref<524288xi32, #tpu.memory_space<hbm>>) target(%dma_start3A_42 : memref<128xi32, #tpu.memory_space<vmem>>) offsets(%dma_start3A_44 : memref<128xi32, #tpu.memory_space<vmem>>) semaphore(%arg14 : memref<!tpu.dma_semaphore, #tpu.memory_space<semaphore_mem>>)
    %dma_start3A_47 = arith.constant 384 : i32
    %dma_start3A_48 = tpu.memref_slice %arg10[%dma_start3A_47] : memref<1024xi32, #tpu.memory_space<vmem>> -> memref<128xi32, #tpu.memory_space<vmem>>
    %dma_start3A_49 = arith.constant 384 : i32
    %dma_start3A_50 = tpu.memref_slice %arg7[%dma_start3A_49] : memref<1024xi32, #tpu.memory_space<vmem>> -> memref<128xi32, #tpu.memory_space<vmem>>
    %dma_start3A_51 = arith.constant 0 : i32
    %dma_start3A_52 = tpu.memref_slice %arg2[%dma_start3A_51] : memref<524288xi32, #tpu.memory_space<hbm>> -> memref<524288xi32, #tpu.memory_space<hbm>>
    tpu.enqueue_indirect_dma source(%dma_start3A_52 : memref<524288xi32, #tpu.memory_space<hbm>>) target(%dma_start3A_48 : memref<128xi32, #tpu.memory_space<vmem>>) offsets(%dma_start3A_50 : memref<128xi32, #tpu.memory_space<vmem>>) semaphore(%arg13 : memref<!tpu.dma_semaphore, #tpu.memory_space<semaphore_mem>>)
    %dma_start3A_53 = arith.constant 384 : i32
    %dma_start3A_54 = tpu.memref_slice %arg11[%dma_start3A_53] : memref<1024xi32, #tpu.memory_space<vmem>> -> memref<128xi32, #tpu.memory_space<vmem>>
    %dma_start3A_55 = arith.constant 384 : i32
    %dma_start3A_56 = tpu.memref_slice %arg8[%dma_start3A_55] : memref<1024xi32, #tpu.memory_space<vmem>> -> memref<128xi32, #tpu.memory_space<vmem>>
    %dma_start3A_57 = arith.constant 0 : i32
    %dma_start3A_58 = tpu.memref_slice %arg2[%dma_start3A_57] : memref<524288xi32, #tpu.memory_space<hbm>> -> memref<524288xi32, #tpu.memory_space<hbm>>
    tpu.enqueue_indirect_dma source(%dma_start3A_58 : memref<524288xi32, #tpu.memory_space<hbm>>) target(%dma_start3A_54 : memref<128xi32, #tpu.memory_space<vmem>>) offsets(%dma_start3A_56 : memref<128xi32, #tpu.memory_space<vmem>>) semaphore(%arg14 : memref<!tpu.dma_semaphore, #tpu.memory_space<semaphore_mem>>)
    %dma_start3A_59 = arith.constant 512 : i32
    %dma_start3A_60 = tpu.memref_slice %arg10[%dma_start3A_59] : memref<1024xi32, #tpu.memory_space<vmem>> -> memref<128xi32, #tpu.memory_space<vmem>>
    %dma_start3A_61 = arith.constant 512 : i32
    %dma_start3A_62 = tpu.memref_slice %arg7[%dma_start3A_61] : memref<1024xi32, #tpu.memory_space<vmem>> -> memref<128xi32, #tpu.memory_space<vmem>>
    %dma_start3A_63 = arith.constant 0 : i32
    %dma_start3A_64 = tpu.memref_slice %arg2[%dma_start3A_63] : memref<524288xi32, #tpu.memory_space<hbm>> -> memref<524288xi32, #tpu.memory_space<hbm>>
    tpu.enqueue_indirect_dma source(%dma_start3A_64 : memref<524288xi32, #tpu.memory_space<hbm>>) target(%dma_start3A_60 : memref<128xi32, #tpu.memory_space<vmem>>) offsets(%dma_start3A_62 : memref<128xi32, #tpu.memory_space<vmem>>) semaphore(%arg13 : memref<!tpu.dma_semaphore, #tpu.memory_space<semaphore_mem>>)
    %dma_start3A_65 = arith.constant 512 : i32
    %dma_start3A_66 = tpu.memref_slice %arg11[%dma_start3A_65] : memref<1024xi32, #tpu.memory_space<vmem>> -> memref<128xi32, #tpu.memory_space<vmem>>
    %dma_start3A_67 = arith.constant 512 : i32
    %dma_start3A_68 = tpu.memref_slice %arg8[%dma_start3A_67] : memref<1024xi32, #tpu.memory_space<vmem>> -> memref<128xi32, #tpu.memory_space<vmem>>
    %dma_start3A_69 = arith.constant 0 : i32
    %dma_start3A_70 = tpu.memref_slice %arg2[%dma_start3A_69] : memref<524288xi32, #tpu.memory_space<hbm>> -> memref<524288xi32, #tpu.memory_space<hbm>>
    tpu.enqueue_indirect_dma source(%dma_start3A_70 : memref<524288xi32, #tpu.memory_space<hbm>>) target(%dma_start3A_66 : memref<128xi32, #tpu.memory_space<vmem>>) offsets(%dma_start3A_68 : memref<128xi32, #tpu.memory_space<vmem>>) semaphore(%arg14 : memref<!tpu.dma_semaphore, #tpu.memory_space<semaphore_mem>>)
    %dma_start3A_71 = arith.constant 640 : i32
    %dma_start3A_72 = tpu.memref_slice %arg10[%dma_start3A_71] : memref<1024xi32, #tpu.memory_space<vmem>> -> memref<128xi32, #tpu.memory_space<vmem>>
    %dma_start3A_73 = arith.constant 640 : i32
    %dma_start3A_74 = tpu.memref_slice %arg7[%dma_start3A_73] : memref<1024xi32, #tpu.memory_space<vmem>> -> memref<128xi32, #tpu.memory_space<vmem>>
    %dma_start3A_75 = arith.constant 0 : i32
    %dma_start3A_76 = tpu.memref_slice %arg2[%dma_start3A_75] : memref<524288xi32, #tpu.memory_space<hbm>> -> memref<524288xi32, #tpu.memory_space<hbm>>
    tpu.enqueue_indirect_dma source(%dma_start3A_76 : memref<524288xi32, #tpu.memory_space<hbm>>) target(%dma_start3A_72 : memref<128xi32, #tpu.memory_space<vmem>>) offsets(%dma_start3A_74 : memref<128xi32, #tpu.memory_space<vmem>>) semaphore(%arg13 : memref<!tpu.dma_semaphore, #tpu.memory_space<semaphore_mem>>)
    %dma_start3A_77 = arith.constant 640 : i32
    %dma_start3A_78 = tpu.memref_slice %arg11[%dma_start3A_77] : memref<1024xi32, #tpu.memory_space<vmem>> -> memref<128xi32, #tpu.memory_space<vmem>>
    %dma_start3A_79 = arith.constant 640 : i32
    %dma_start3A_80 = tpu.memref_slice %arg8[%dma_start3A_79] : memref<1024xi32, #tpu.memory_space<vmem>> -> memref<128xi32, #tpu.memory_space<vmem>>
    %dma_start3A_81 = arith.constant 0 : i32
    %dma_start3A_82 = tpu.memref_slice %arg2[%dma_start3A_81] : memref<524288xi32, #tpu.memory_space<hbm>> -> memref<524288xi32, #tpu.memory_space<hbm>>
    tpu.enqueue_indirect_dma source(%dma_start3A_82 : memref<524288xi32, #tpu.memory_space<hbm>>) target(%dma_start3A_78 : memref<128xi32, #tpu.memory_space<vmem>>) offsets(%dma_start3A_80 : memref<128xi32, #tpu.memory_space<vmem>>) semaphore(%arg14 : memref<!tpu.dma_semaphore, #tpu.memory_space<semaphore_mem>>)
    %dma_start3A_83 = arith.constant 768 : i32
    %dma_start3A_84 = tpu.memref_slice %arg10[%dma_start3A_83] : memref<1024xi32, #tpu.memory_space<vmem>> -> memref<128xi32, #tpu.memory_space<vmem>>
    %dma_start3A_85 = arith.constant 768 : i32
    %dma_start3A_86 = tpu.memref_slice %arg7[%dma_start3A_85] : memref<1024xi32, #tpu.memory_space<vmem>> -> memref<128xi32, #tpu.memory_space<vmem>>
    %dma_start3A_87 = arith.constant 0 : i32
    %dma_start3A_88 = tpu.memref_slice %arg2[%dma_start3A_87] : memref<524288xi32, #tpu.memory_space<hbm>> -> memref<524288xi32, #tpu.memory_space<hbm>>
    tpu.enqueue_indirect_dma source(%dma_start3A_88 : memref<524288xi32, #tpu.memory_space<hbm>>) target(%dma_start3A_84 : memref<128xi32, #tpu.memory_space<vmem>>) offsets(%dma_start3A_86 : memref<128xi32, #tpu.memory_space<vmem>>) semaphore(%arg13 : memref<!tpu.dma_semaphore, #tpu.memory_space<semaphore_mem>>)
    %dma_start3A_89 = arith.constant 768 : i32
    %dma_start3A_90 = tpu.memref_slice %arg11[%dma_start3A_89] : memref<1024xi32, #tpu.memory_space<vmem>> -> memref<128xi32, #tpu.memory_space<vmem>>
    %dma_start3A_91 = arith.constant 768 : i32
    %dma_start3A_92 = tpu.memref_slice %arg8[%dma_start3A_91] : memref<1024xi32, #tpu.memory_space<vmem>> -> memref<128xi32, #tpu.memory_space<vmem>>
    %dma_start3A_93 = arith.constant 0 : i32
    %dma_start3A_94 = tpu.memref_slice %arg2[%dma_start3A_93] : memref<524288xi32, #tpu.memory_space<hbm>> -> memref<524288xi32, #tpu.memory_space<hbm>>
    tpu.enqueue_indirect_dma source(%dma_start3A_94 : memref<524288xi32, #tpu.memory_space<hbm>>) target(%dma_start3A_90 : memref<128xi32, #tpu.memory_space<vmem>>) offsets(%dma_start3A_92 : memref<128xi32, #tpu.memory_space<vmem>>) semaphore(%arg14 : memref<!tpu.dma_semaphore, #tpu.memory_space<semaphore_mem>>)
    %dma_start3A_95 = arith.constant 896 : i32
    %dma_start3A_96 = tpu.memref_slice %arg10[%dma_start3A_95] : memref<1024xi32, #tpu.memory_space<vmem>> -> memref<128xi32, #tpu.memory_space<vmem>>
    %dma_start3A_97 = arith.constant 896 : i32
    %dma_start3A_98 = tpu.memref_slice %arg7[%dma_start3A_97] : memref<1024xi32, #tpu.memory_space<vmem>> -> memref<128xi32, #tpu.memory_space<vmem>>
    %dma_start3A_99 = arith.constant 0 : i32
    %dma_start3A_100 = tpu.memref_slice %arg2[%dma_start3A_99] : memref<524288xi32, #tpu.memory_space<hbm>> -> memref<524288xi32, #tpu.memory_space<hbm>>
    tpu.enqueue_indirect_dma source(%dma_start3A_100 : memref<524288xi32, #tpu.memory_space<hbm>>) target(%dma_start3A_96 : memref<128xi32, #tpu.memory_space<vmem>>) offsets(%dma_start3A_98 : memref<128xi32, #tpu.memory_space<vmem>>) semaphore(%arg13 : memref<!tpu.dma_semaphore, #tpu.memory_space<semaphore_mem>>)
    %dma_start3A_101 = arith.constant 896 : i32
    %dma_start3A_102 = tpu.memref_slice %arg11[%dma_start3A_101] : memref<1024xi32, #tpu.memory_space<vmem>> -> memref<128xi32, #tpu.memory_space<vmem>>
    %dma_start3A_103 = arith.constant 896 : i32
    %dma_start3A_104 = tpu.memref_slice %arg8[%dma_start3A_103] : memref<1024xi32, #tpu.memory_space<vmem>> -> memref<128xi32, #tpu.memory_space<vmem>>
    %dma_start3A_105 = arith.constant 0 : i32
    %dma_start3A_106 = tpu.memref_slice %arg2[%dma_start3A_105] : memref<524288xi32, #tpu.memory_space<hbm>> -> memref<524288xi32, #tpu.memory_space<hbm>>
    tpu.enqueue_indirect_dma source(%dma_start3A_106 : memref<524288xi32, #tpu.memory_space<hbm>>) target(%dma_start3A_102 : memref<128xi32, #tpu.memory_space<vmem>>) offsets(%dma_start3A_104 : memref<128xi32, #tpu.memory_space<vmem>>) semaphore(%arg14 : memref<!tpu.dma_semaphore, #tpu.memory_space<semaphore_mem>>)
    %dma_wait3A_107 = tpu.memref_slice %arg5[%mul3A_2] : memref<16384xi32, #tpu.memory_space<hbm>> -> memref<1024xi32, #tpu.memory_space<hbm>>
    %dma_wait3A_108 = tpu.memref_slice %arg5[%mul3A_2] : memref<16384xi32, #tpu.memory_space<hbm>> -> memref<1024xi32, #tpu.memory_space<hbm>>
    tpu.wait_dma2 semaphore(%arg13 : memref<!tpu.dma_semaphore, #tpu.memory_space<semaphore_mem>>) src(%dma_wait3A_108 : memref<1024xi32, #tpu.memory_space<hbm>>) dst(%arg9 : memref<1024xi32, #tpu.memory_space<vmem>>)
    %broadcast_in_dim3A = arith.constant -65536 : i32
    %broadcast_in_dim3A_109 = vector.broadcast %broadcast_in_dim3A : i32 to vector<16xi32>
    %dma_wait3A_110 = arith.constant 0 : i32
    %dma_wait3A_111 = tpu.memref_slice %arg10[%dma_wait3A_110] : memref<1024xi32, #tpu.memory_space<vmem>> -> memref<128xi32, #tpu.memory_space<vmem>>
    %dma_wait3A_112 = arith.constant 0 : i32
    %dma_wait3A_113 = tpu.memref_slice %arg7[%dma_wait3A_112] : memref<1024xi32, #tpu.memory_space<vmem>> -> memref<128xi32, #tpu.memory_space<vmem>>
    %dma_wait3A_114 = arith.constant 0 : i32
    %dma_wait3A_115 = tpu.memref_slice %arg2[%dma_wait3A_114] : memref<524288xi32, #tpu.memory_space<hbm>> -> memref<524288xi32, #tpu.memory_space<hbm>>
    tpu.wait_indirect_dma semaphore(%arg13 : memref<!tpu.dma_semaphore, #tpu.memory_space<semaphore_mem>>) src(%dma_wait3A_115 : memref<524288xi32, #tpu.memory_space<hbm>>) dst(%dma_wait3A_111 : memref<128xi32, #tpu.memory_space<vmem>>)
    %dma_wait3A_116 = arith.constant 0 : i32
    %dma_wait3A_117 = tpu.memref_slice %arg11[%dma_wait3A_116] : memref<1024xi32, #tpu.memory_space<vmem>> -> memref<128xi32, #tpu.memory_space<vmem>>
    %dma_wait3A_118 = arith.constant 0 : i32
    %dma_wait3A_119 = tpu.memref_slice %arg8[%dma_wait3A_118] : memref<1024xi32, #tpu.memory_space<vmem>> -> memref<128xi32, #tpu.memory_space<vmem>>
    %dma_wait3A_120 = arith.constant 0 : i32
    %dma_wait3A_121 = tpu.memref_slice %arg2[%dma_wait3A_120] : memref<524288xi32, #tpu.memory_space<hbm>> -> memref<524288xi32, #tpu.memory_space<hbm>>
    tpu.wait_indirect_dma semaphore(%arg14 : memref<!tpu.dma_semaphore, #tpu.memory_space<semaphore_mem>>) src(%dma_wait3A_121 : memref<524288xi32, #tpu.memory_space<hbm>>) dst(%dma_wait3A_117 : memref<128xi32, #tpu.memory_space<vmem>>)
    %dma_wait3A_122 = arith.constant 128 : i32
    %dma_wait3A_123 = tpu.memref_slice %arg10[%dma_wait3A_122] : memref<1024xi32, #tpu.memory_space<vmem>> -> memref<128xi32, #tpu.memory_space<vmem>>
    %dma_wait3A_124 = arith.constant 128 : i32
    %dma_wait3A_125 = tpu.memref_slice %arg7[%dma_wait3A_124] : memref<1024xi32, #tpu.memory_space<vmem>> -> memref<128xi32, #tpu.memory_space<vmem>>
    %dma_wait3A_126 = arith.constant 0 : i32
    %dma_wait3A_127 = tpu.memref_slice %arg2[%dma_wait3A_126] : memref<524288xi32, #tpu.memory_space<hbm>> -> memref<524288xi32, #tpu.memory_space<hbm>>
    tpu.wait_indirect_dma semaphore(%arg13 : memref<!tpu.dma_semaphore, #tpu.memory_space<semaphore_mem>>) src(%dma_wait3A_127 : memref<524288xi32, #tpu.memory_space<hbm>>) dst(%dma_wait3A_123 : memref<128xi32, #tpu.memory_space<vmem>>)
    %dma_wait3A_128 = arith.constant 128 : i32
    %dma_wait3A_129 = tpu.memref_slice %arg11[%dma_wait3A_128] : memref<1024xi32, #tpu.memory_space<vmem>> -> memref<128xi32, #tpu.memory_space<vmem>>
    %dma_wait3A_130 = arith.constant 128 : i32
    %dma_wait3A_131 = tpu.memref_slice %arg8[%dma_wait3A_130] : memref<1024xi32, #tpu.memory_space<vmem>> -> memref<128xi32, #tpu.memory_space<vmem>>
    %dma_wait3A_132 = arith.constant 0 : i32
    %dma_wait3A_133 = tpu.memref_slice %arg2[%dma_wait3A_132] : memref<524288xi32, #tpu.memory_space<hbm>> -> memref<524288xi32, #tpu.memory_space<hbm>>
    tpu.wait_indirect_dma semaphore(%arg14 : memref<!tpu.dma_semaphore, #tpu.memory_space<semaphore_mem>>) src(%dma_wait3A_133 : memref<524288xi32, #tpu.memory_space<hbm>>) dst(%dma_wait3A_129 : memref<128xi32, #tpu.memory_space<vmem>>)
    %dma_wait3A_134 = arith.constant 256 : i32
    %dma_wait3A_135 = tpu.memref_slice %arg10[%dma_wait3A_134] : memref<1024xi32, #tpu.memory_space<vmem>> -> memref<128xi32, #tpu.memory_space<vmem>>
    %dma_wait3A_136 = arith.constant 256 : i32
    %dma_wait3A_137 = tpu.memref_slice %arg7[%dma_wait3A_136] : memref<1024xi32, #tpu.memory_space<vmem>> -> memref<128xi32, #tpu.memory_space<vmem>>
    %dma_wait3A_138 = arith.constant 0 : i32
    %dma_wait3A_139 = tpu.memref_slice %arg2[%dma_wait3A_138] : memref<524288xi32, #tpu.memory_space<hbm>> -> memref<524288xi32, #tpu.memory_space<hbm>>
    tpu.wait_indirect_dma semaphore(%arg13 : memref<!tpu.dma_semaphore, #tpu.memory_space<semaphore_mem>>) src(%dma_wait3A_139 : memref<524288xi32, #tpu.memory_space<hbm>>) dst(%dma_wait3A_135 : memref<128xi32, #tpu.memory_space<vmem>>)
    %dma_wait3A_140 = arith.constant 256 : i32
    %dma_wait3A_141 = tpu.memref_slice %arg11[%dma_wait3A_140] : memref<1024xi32, #tpu.memory_space<vmem>> -> memref<128xi32, #tpu.memory_space<vmem>>
    %dma_wait3A_142 = arith.constant 256 : i32
    %dma_wait3A_143 = tpu.memref_slice %arg8[%dma_wait3A_142] : memref<1024xi32, #tpu.memory_space<vmem>> -> memref<128xi32, #tpu.memory_space<vmem>>
    %dma_wait3A_144 = arith.constant 0 : i32
    %dma_wait3A_145 = tpu.memref_slice %arg2[%dma_wait3A_144] : memref<524288xi32, #tpu.memory_space<hbm>> -> memref<524288xi32, #tpu.memory_space<hbm>>
    tpu.wait_indirect_dma semaphore(%arg14 : memref<!tpu.dma_semaphore, #tpu.memory_space<semaphore_mem>>) src(%dma_wait3A_145 : memref<524288xi32, #tpu.memory_space<hbm>>) dst(%dma_wait3A_141 : memref<128xi32, #tpu.memory_space<vmem>>)
    %dma_wait3A_146 = arith.constant 384 : i32
    %dma_wait3A_147 = tpu.memref_slice %arg10[%dma_wait3A_146] : memref<1024xi32, #tpu.memory_space<vmem>> -> memref<128xi32, #tpu.memory_space<vmem>>
    %dma_wait3A_148 = arith.constant 384 : i32
    %dma_wait3A_149 = tpu.memref_slice %arg7[%dma_wait3A_148] : memref<1024xi32, #tpu.memory_space<vmem>> -> memref<128xi32, #tpu.memory_space<vmem>>
    %dma_wait3A_150 = arith.constant 0 : i32
    %dma_wait3A_151 = tpu.memref_slice %arg2[%dma_wait3A_150] : memref<524288xi32, #tpu.memory_space<hbm>> -> memref<524288xi32, #tpu.memory_space<hbm>>
    tpu.wait_indirect_dma semaphore(%arg13 : memref<!tpu.dma_semaphore, #tpu.memory_space<semaphore_mem>>) src(%dma_wait3A_151 : memref<524288xi32, #tpu.memory_space<hbm>>) dst(%dma_wait3A_147 : memref<128xi32, #tpu.memory_space<vmem>>)
    %dma_wait3A_152 = arith.constant 384 : i32
    %dma_wait3A_153 = tpu.memref_slice %arg11[%dma_wait3A_152] : memref<1024xi32, #tpu.memory_space<vmem>> -> memref<128xi32, #tpu.memory_space<vmem>>
    %dma_wait3A_154 = arith.constant 384 : i32
    %dma_wait3A_155 = tpu.memref_slice %arg8[%dma_wait3A_154] : memref<1024xi32, #tpu.memory_space<vmem>> -> memref<128xi32, #tpu.memory_space<vmem>>
    %dma_wait3A_156 = arith.constant 0 : i32
    %dma_wait3A_157 = tpu.memref_slice %arg2[%dma_wait3A_156] : memref<524288xi32, #tpu.memory_space<hbm>> -> memref<524288xi32, #tpu.memory_space<hbm>>
    tpu.wait_indirect_dma semaphore(%arg14 : memref<!tpu.dma_semaphore, #tpu.memory_space<semaphore_mem>>) src(%dma_wait3A_157 : memref<524288xi32, #tpu.memory_space<hbm>>) dst(%dma_wait3A_153 : memref<128xi32, #tpu.memory_space<vmem>>)
    %dma_wait3A_158 = arith.constant 512 : i32
    %dma_wait3A_159 = tpu.memref_slice %arg10[%dma_wait3A_158] : memref<1024xi32, #tpu.memory_space<vmem>> -> memref<128xi32, #tpu.memory_space<vmem>>
    %dma_wait3A_160 = arith.constant 512 : i32
    %dma_wait3A_161 = tpu.memref_slice %arg7[%dma_wait3A_160] : memref<1024xi32, #tpu.memory_space<vmem>> -> memref<128xi32, #tpu.memory_space<vmem>>
    %dma_wait3A_162 = arith.constant 0 : i32
    %dma_wait3A_163 = tpu.memref_slice %arg2[%dma_wait3A_162] : memref<524288xi32, #tpu.memory_space<hbm>> -> memref<524288xi32, #tpu.memory_space<hbm>>
    tpu.wait_indirect_dma semaphore(%arg13 : memref<!tpu.dma_semaphore, #tpu.memory_space<semaphore_mem>>) src(%dma_wait3A_163 : memref<524288xi32, #tpu.memory_space<hbm>>) dst(%dma_wait3A_159 : memref<128xi32, #tpu.memory_space<vmem>>)
    %dma_wait3A_164 = arith.constant 512 : i32
    %dma_wait3A_165 = tpu.memref_slice %arg11[%dma_wait3A_164] : memref<1024xi32, #tpu.memory_space<vmem>> -> memref<128xi32, #tpu.memory_space<vmem>>
    %dma_wait3A_166 = arith.constant 512 : i32
    %dma_wait3A_167 = tpu.memref_slice %arg8[%dma_wait3A_166] : memref<1024xi32, #tpu.memory_space<vmem>> -> memref<128xi32, #tpu.memory_space<vmem>>
    %dma_wait3A_168 = arith.constant 0 : i32
    %dma_wait3A_169 = tpu.memref_slice %arg2[%dma_wait3A_168] : memref<524288xi32, #tpu.memory_space<hbm>> -> memref<524288xi32, #tpu.memory_space<hbm>>
    tpu.wait_indirect_dma semaphore(%arg14 : memref<!tpu.dma_semaphore, #tpu.memory_space<semaphore_mem>>) src(%dma_wait3A_169 : memref<524288xi32, #tpu.memory_space<hbm>>) dst(%dma_wait3A_165 : memref<128xi32, #tpu.memory_space<vmem>>)
    %dma_wait3A_170 = arith.constant 640 : i32
    %dma_wait3A_171 = tpu.memref_slice %arg10[%dma_wait3A_170] : memref<1024xi32, #tpu.memory_space<vmem>> -> memref<128xi32, #tpu.memory_space<vmem>>
    %dma_wait3A_172 = arith.constant 640 : i32
    %dma_wait3A_173 = tpu.memref_slice %arg7[%dma_wait3A_172] : memref<1024xi32, #tpu.memory_space<vmem>> -> memref<128xi32, #tpu.memory_space<vmem>>
    %dma_wait3A_174 = arith.constant 0 : i32
    %dma_wait3A_175 = tpu.memref_slice %arg2[%dma_wait3A_174] : memref<524288xi32, #tpu.memory_space<hbm>> -> memref<524288xi32, #tpu.memory_space<hbm>>
    tpu.wait_indirect_dma semaphore(%arg13 : memref<!tpu.dma_semaphore, #tpu.memory_space<semaphore_mem>>) src(%dma_wait3A_175 : memref<524288xi32, #tpu.memory_space<hbm>>) dst(%dma_wait3A_171 : memref<128xi32, #tpu.memory_space<vmem>>)
    %dma_wait3A_176 = arith.constant 640 : i32
    %dma_wait3A_177 = tpu.memref_slice %arg11[%dma_wait3A_176] : memref<1024xi32, #tpu.memory_space<vmem>> -> memref<128xi32, #tpu.memory_space<vmem>>
    %dma_wait3A_178 = arith.constant 640 : i32
    %dma_wait3A_179 = tpu.memref_slice %arg8[%dma_wait3A_178] : memref<1024xi32, #tpu.memory_space<vmem>> -> memref<128xi32, #tpu.memory_space<vmem>>
    %dma_wait3A_180 = arith.constant 0 : i32
    %dma_wait3A_181 = tpu.memref_slice %arg2[%dma_wait3A_180] : memref<524288xi32, #tpu.memory_space<hbm>> -> memref<524288xi32, #tpu.memory_space<hbm>>
    tpu.wait_indirect_dma semaphore(%arg14 : memref<!tpu.dma_semaphore, #tpu.memory_space<semaphore_mem>>) src(%dma_wait3A_181 : memref<524288xi32, #tpu.memory_space<hbm>>) dst(%dma_wait3A_177 : memref<128xi32, #tpu.memory_space<vmem>>)
    %dma_wait3A_182 = arith.constant 768 : i32
    %dma_wait3A_183 = tpu.memref_slice %arg10[%dma_wait3A_182] : memref<1024xi32, #tpu.memory_space<vmem>> -> memref<128xi32, #tpu.memory_space<vmem>>
    %dma_wait3A_184 = arith.constant 768 : i32
    %dma_wait3A_185 = tpu.memref_slice %arg7[%dma_wait3A_184] : memref<1024xi32, #tpu.memory_space<vmem>> -> memref<128xi32, #tpu.memory_space<vmem>>
    %dma_wait3A_186 = arith.constant 0 : i32
    %dma_wait3A_187 = tpu.memref_slice %arg2[%dma_wait3A_186] : memref<524288xi32, #tpu.memory_space<hbm>> -> memref<524288xi32, #tpu.memory_space<hbm>>
    tpu.wait_indirect_dma semaphore(%arg13 : memref<!tpu.dma_semaphore, #tpu.memory_space<semaphore_mem>>) src(%dma_wait3A_187 : memref<524288xi32, #tpu.memory_space<hbm>>) dst(%dma_wait3A_183 : memref<128xi32, #tpu.memory_space<vmem>>)
    %dma_wait3A_188 = arith.constant 768 : i32
    %dma_wait3A_189 = tpu.memref_slice %arg11[%dma_wait3A_188] : memref<1024xi32, #tpu.memory_space<vmem>> -> memref<128xi32, #tpu.memory_space<vmem>>
    %dma_wait3A_190 = arith.constant 768 : i32
    %dma_wait3A_191 = tpu.memref_slice %arg8[%dma_wait3A_190] : memref<1024xi32, #tpu.memory_space<vmem>> -> memref<128xi32, #tpu.memory_space<vmem>>
    %dma_wait3A_192 = arith.constant 0 : i32
    %dma_wait3A_193 = tpu.memref_slice %arg2[%dma_wait3A_192] : memref<524288xi32, #tpu.memory_space<hbm>> -> memref<524288xi32, #tpu.memory_space<hbm>>
    tpu.wait_indirect_dma semaphore(%arg14 : memref<!tpu.dma_semaphore, #tpu.memory_space<semaphore_mem>>) src(%dma_wait3A_193 : memref<524288xi32, #tpu.memory_space<hbm>>) dst(%dma_wait3A_189 : memref<128xi32, #tpu.memory_space<vmem>>)
    %dma_wait3A_194 = arith.constant 896 : i32
    %dma_wait3A_195 = tpu.memref_slice %arg10[%dma_wait3A_194] : memref<1024xi32, #tpu.memory_space<vmem>> -> memref<128xi32, #tpu.memory_space<vmem>>
    %dma_wait3A_196 = arith.constant 896 : i32
    %dma_wait3A_197 = tpu.memref_slice %arg7[%dma_wait3A_196] : memref<1024xi32, #tpu.memory_space<vmem>> -> memref<128xi32, #tpu.memory_space<vmem>>
    %dma_wait3A_198 = arith.constant 0 : i32
    %dma_wait3A_199 = tpu.memref_slice %arg2[%dma_wait3A_198] : memref<524288xi32, #tpu.memory_space<hbm>> -> memref<524288xi32, #tpu.memory_space<hbm>>
    tpu.wait_indirect_dma semaphore(%arg13 : memref<!tpu.dma_semaphore, #tpu.memory_space<semaphore_mem>>) src(%dma_wait3A_199 : memref<524288xi32, #tpu.memory_space<hbm>>) dst(%dma_wait3A_195 : memref<128xi32, #tpu.memory_space<vmem>>)
    %dma_wait3A_200 = arith.constant 896 : i32
    %dma_wait3A_201 = tpu.memref_slice %arg11[%dma_wait3A_200] : memref<1024xi32, #tpu.memory_space<vmem>> -> memref<128xi32, #tpu.memory_space<vmem>>
    %dma_wait3A_202 = arith.constant 896 : i32
    %dma_wait3A_203 = tpu.memref_slice %arg8[%dma_wait3A_202] : memref<1024xi32, #tpu.memory_space<vmem>> -> memref<128xi32, #tpu.memory_space<vmem>>
    %dma_wait3A_204 = arith.constant 0 : i32
    %dma_wait3A_205 = tpu.memref_slice %arg2[%dma_wait3A_204] : memref<524288xi32, #tpu.memory_space<hbm>> -> memref<524288xi32, #tpu.memory_space<hbm>>
    tpu.wait_indirect_dma semaphore(%arg14 : memref<!tpu.dma_semaphore, #tpu.memory_space<semaphore_mem>>) src(%dma_wait3A_205 : memref<524288xi32, #tpu.memory_space<hbm>>) dst(%dma_wait3A_201 : memref<128xi32, #tpu.memory_space<vmem>>)
    %broadcast_in_dim3A_206 = arith.constant 0.000000e+00 : f32
    %broadcast_in_dim3A_207 = vector.broadcast %broadcast_in_dim3A_206 : f32 to vector<16xf32>
    %scan3A = arith.constant 0 : i32
    %scan3A_208 = arith.constant 64 : i32
    %scan3A_209 = arith.addi %scan3A, %scan3A_208 : i32
    %scan3A_210 = arith.constant 1 : i32
    %scan3A_211 = scf.for %scan3A_216 = %scan3A to %scan3A_209 step %scan3A_210 iter_args(%scan3A_217 = %broadcast_in_dim3A_207) -> (vector<16xf32>)  : i32 {
      %mul3A_218 = arith.constant 16 : i32
      %mul3A_219 = arith.muli %scan3A_216, %mul3A_218 : i32
      %get3A = arith.index_cast %mul3A_219 : i32 to index
      %get3A_220 = tpu.vector_load %arg9[%get3A] {strides = array<i32>} : memref<1024xi32, #tpu.memory_space<vmem>>, vector<16xi32>,
      %get3A_221 = vector.shape_cast %get3A_220 : vector<16xi32> to vector<16xi32>
      %get3A_222 = arith.index_cast %mul3A_219 : i32 to index
      %get3A_223 = tpu.vector_load %arg10[%get3A_222] {strides = array<i32>} : memref<1024xi32, #tpu.memory_space<vmem>>, vector<16xi32>,
      %get3A_224 = vector.shape_cast %get3A_223 : vector<16xi32> to vector<16xi32>
      %shift_left3A = arith.shli %get3A_224, %get3A_221 : vector<16xi32>
      %and3A = arith.andi %shift_left3A, %broadcast_in_dim3A_109 : vector<16xi32>
      %bitcast_convert_type3A = tpu.bitcast %and3A : vector<16xi32> -> vector<16xf32>
      %max3A = arith.constant 0.000000e+00 : f32
      %max3A_225 = vector.broadcast %max3A : f32 to vector<16xf32>
      %max3A_226 = arith.maximumf %bitcast_convert_type3A, %max3A_225 : vector<16xf32>
      %bitcast_convert_type3A_227 = tpu.bitcast %max3A_226 : vector<16xf32> -> vector<16xi32>
      %shift_right_arithmetic3A = arith.constant 1 : i32
      %shift_right_arithmetic3A_228 = vector.broadcast %shift_right_arithmetic3A : i32 to vector<16xi32>
      %shift_right_arithmetic3A_229 = arith.shrsi %bitcast_convert_type3A_227, %shift_right_arithmetic3A_228 : vector<16xi32>
      %sub3A = arith.constant 1597463007 : i32
      %sub3A_230 = vector.broadcast %sub3A : i32 to vector<16xi32>
      %sub3A_231 = arith.subi %sub3A_230, %shift_right_arithmetic3A_229 : vector<16xi32>
      %bitcast_convert_type3A_232 = tpu.bitcast %sub3A_231 : vector<16xi32> -> vector<16xf32>
      %mul3A_233 = arith.constant 5.000000e-01 : f32
      %mul3A_234 = vector.broadcast %mul3A_233 : f32 to vector<16xf32>
      %mul3A_235 = arith.mulf %mul3A_234, %max3A_226 : vector<16xf32>
      %mul3A_236 = arith.mulf %mul3A_235, %bitcast_convert_type3A_232 : vector<16xf32>
      %mul3A_237 = arith.mulf %mul3A_236, %bitcast_convert_type3A_232 : vector<16xf32>
      %sub3A_238 = arith.constant 1.500000e+00 : f32
      %sub3A_239 = vector.broadcast %sub3A_238 : f32 to vector<16xf32>
      %sub3A_240 = arith.subf %sub3A_239, %mul3A_237 : vector<16xf32>
      %mul3A_241 = arith.mulf %bitcast_convert_type3A_232, %sub3A_240 : vector<16xf32>
      %mul3A_242 = arith.constant 5.000000e-01 : f32
      %mul3A_243 = vector.broadcast %mul3A_242 : f32 to vector<16xf32>
      %mul3A_244 = arith.mulf %mul3A_243, %max3A_226 : vector<16xf32>
      %mul3A_245 = arith.mulf %mul3A_244, %mul3A_241 : vector<16xf32>
      %mul3A_246 = arith.mulf %mul3A_245, %mul3A_241 : vector<16xf32>
      %sub3A_247 = arith.constant 1.500000e+00 : f32
      %sub3A_248 = vector.broadcast %sub3A_247 : f32 to vector<16xf32>
      %sub3A_249 = arith.subf %sub3A_248, %mul3A_246 : vector<16xf32>
      %mul3A_250 = arith.mulf %mul3A_241, %sub3A_249 : vector<16xf32>
      %mul3A_251 = arith.constant 5.000000e-01 : f32
      %mul3A_252 = vector.broadcast %mul3A_251 : f32 to vector<16xf32>
      %mul3A_253 = arith.mulf %mul3A_252, %max3A_226 : vector<16xf32>
      %mul3A_254 = arith.mulf %mul3A_253, %mul3A_250 : vector<16xf32>
      %mul3A_255 = arith.mulf %mul3A_254, %mul3A_250 : vector<16xf32>
      %sub3A_256 = arith.constant 1.500000e+00 : f32
      %sub3A_257 = vector.broadcast %sub3A_256 : f32 to vector<16xf32>
      %sub3A_258 = arith.subf %sub3A_257, %mul3A_255 : vector<16xf32>
      %mul3A_259 = arith.mulf %mul3A_250, %sub3A_258 : vector<16xf32>
      %mul3A_260 = arith.mulf %max3A_226, %mul3A_259 : vector<16xf32>
      %get3A_261 = arith.index_cast %mul3A_219 : i32 to index
      %get3A_262 = tpu.vector_load %arg11[%get3A_261] {strides = array<i32>} : memref<1024xi32, #tpu.memory_space<vmem>>, vector<16xi32>,
      %get3A_263 = vector.shape_cast %get3A_262 : vector<16xi32> to vector<16xi32>
      %shift_left3A_264 = arith.shli %get3A_263, %get3A_221 : vector<16xi32>
      %and3A_265 = arith.andi %shift_left3A_264, %broadcast_in_dim3A_109 : vector<16xi32>
      %bitcast_convert_type3A_266 = tpu.bitcast %and3A_265 : vector<16xi32> -> vector<16xf32>
      %max3A_267 = arith.constant 0.000000e+00 : f32
      %max3A_268 = vector.broadcast %max3A_267 : f32 to vector<16xf32>
      %max3A_269 = arith.maximumf %bitcast_convert_type3A_266, %max3A_268 : vector<16xf32>
      %bitcast_convert_type3A_270 = tpu.bitcast %max3A_269 : vector<16xf32> -> vector<16xi32>
      %shift_right_arithmetic3A_271 = arith.constant 1 : i32
      %shift_right_arithmetic3A_272 = vector.broadcast %shift_right_arithmetic3A_271 : i32 to vector<16xi32>
      %shift_right_arithmetic3A_273 = arith.shrsi %bitcast_convert_type3A_270, %shift_right_arithmetic3A_272 : vector<16xi32>
      %sub3A_274 = arith.constant 1597463007 : i32
      %sub3A_275 = vector.broadcast %sub3A_274 : i32 to vector<16xi32>
      %sub3A_276 = arith.subi %sub3A_275, %shift_right_arithmetic3A_273 : vector<16xi32>
      %bitcast_convert_type3A_277 = tpu.bitcast %sub3A_276 : vector<16xi32> -> vector<16xf32>
      %mul3A_278 = arith.constant 5.000000e-01 : f32
      %mul3A_279 = vector.broadcast %mul3A_278 : f32 to vector<16xf32>
      %mul3A_280 = arith.mulf %mul3A_279, %max3A_269 : vector<16xf32>
      %mul3A_281 = arith.mulf %mul3A_280, %bitcast_convert_type3A_277 : vector<16xf32>
      %mul3A_282 = arith.mulf %mul3A_281, %bitcast_convert_type3A_277 : vector<16xf32>
      %sub3A_283 = arith.constant 1.500000e+00 : f32
      %sub3A_284 = vector.broadcast %sub3A_283 : f32 to vector<16xf32>
      %sub3A_285 = arith.subf %sub3A_284, %mul3A_282 : vector<16xf32>
      %mul3A_286 = arith.mulf %bitcast_convert_type3A_277, %sub3A_285 : vector<16xf32>
      %mul3A_287 = arith.constant 5.000000e-01 : f32
      %mul3A_288 = vector.broadcast %mul3A_287 : f32 to vector<16xf32>
      %mul3A_289 = arith.mulf %mul3A_288, %max3A_269 : vector<16xf32>
      %mul3A_290 = arith.mulf %mul3A_289, %mul3A_286 : vector<16xf32>
      %mul3A_291 = arith.mulf %mul3A_290, %mul3A_286 : vector<16xf32>
      %sub3A_292 = arith.constant 1.500000e+00 : f32
      %sub3A_293 = vector.broadcast %sub3A_292 : f32 to vector<16xf32>
      %sub3A_294 = arith.subf %sub3A_293, %mul3A_291 : vector<16xf32>
      %mul3A_295 = arith.mulf %mul3A_286, %sub3A_294 : vector<16xf32>
      %mul3A_296 = arith.constant 5.000000e-01 : f32
      %mul3A_297 = vector.broadcast %mul3A_296 : f32 to vector<16xf32>
      %mul3A_298 = arith.mulf %mul3A_297, %max3A_269 : vector<16xf32>
      %mul3A_299 = arith.mulf %mul3A_298, %mul3A_295 : vector<16xf32>
      %mul3A_300 = arith.mulf %mul3A_299, %mul3A_295 : vector<16xf32>
      %sub3A_301 = arith.constant 1.500000e+00 : f32
      %sub3A_302 = vector.broadcast %sub3A_301 : f32 to vector<16xf32>
      %sub3A_303 = arith.subf %sub3A_302, %mul3A_300 : vector<16xf32>
      %mul3A_304 = arith.mulf %mul3A_295, %sub3A_303 : vector<16xf32>
      %mul3A_305 = arith.mulf %max3A_269, %mul3A_304 : vector<16xf32>
      %sub3A_306 = arith.subf %mul3A_260, %mul3A_305 : vector<16xf32>
      %add3A_307 = arith.constant 1.000000e+00 : f32
      %add3A_308 = vector.broadcast %add3A_307 : f32 to vector<16xf32>
      %add3A_309 = arith.addf %sub3A_306, %add3A_308 : vector<16xf32>
      %max3A_310 = arith.constant 0.000000e+00 : f32
      %max3A_311 = vector.broadcast %max3A_310 : f32 to vector<16xf32>
      %max3A_312 = arith.maximumf %add3A_309, %max3A_311 : vector<16xf32>
      %add3A_313 = arith.addf %scan3A_217, %max3A_312 : vector<16xf32>
      scf.yield %add3A_313 : vector<16xf32>
    }
    %scan3A_212 = arith.constant 64 : i32
    %swap3A = arith.constant 0 : index
    %swap3A_213 = tpu.vector_load %arg12[%swap3A] {strides = array<i32>} : memref<16xf32, #tpu.memory_space<vmem>>, vector<16xf32>,
    %swap3A_214 = vector.shape_cast %swap3A_213 : vector<16xf32> to vector<16xf32>
    %swap3A_215 = vector.shape_cast %scan3A_211 : vector<16xf32> to vector<16xf32>
    tpu.vector_store %arg12[%swap3A], %swap3A_215 {strides = array<i32>} : memref<16xf32, #tpu.memory_space<vmem>>, vector<16xf32>,
    "tpu.region"() ({
      %run_scoped3A = tpu.sem_alloc : memref<!tpu.dma_semaphore, #tpu.memory_space<semaphore_mem>>
      %dma_start3A_216 = arith.constant 0 : i32
      %dma_start3A_217 = tpu.memref_slice %arg6[%add3A, %dma_start3A_216] : memref<16x16xf32, #tpu.memory_space<hbm>> -> memref<1x16xf32, #tpu.memory_space<hbm>>
      %dma_start3A_218 = tpu.memref_squeeze %dma_start3A_217 : memref<1x16xf32, #tpu.memory_space<hbm>> -> memref<16xf32, #tpu.memory_space<hbm>>
      %dma_start3A_219 = arith.constant 0 : i32
      %dma_start3A_220 = tpu.memref_slice %arg6[%add3A, %dma_start3A_219] : memref<16x16xf32, #tpu.memory_space<hbm>> -> memref<1x16xf32, #tpu.memory_space<hbm>>
      %dma_start3A_221 = tpu.memref_squeeze %dma_start3A_220 : memref<1x16xf32, #tpu.memory_space<hbm>> -> memref<16xf32, #tpu.memory_space<hbm>>
      tpu.enqueue_dma source(%arg12 : memref<16xf32, #tpu.memory_space<vmem>>) target(%dma_start3A_221 : memref<16xf32, #tpu.memory_space<hbm>>) target_semaphore(%run_scoped3A : memref<!tpu.dma_semaphore, #tpu.memory_space<semaphore_mem>>)
      %dma_wait3A_222 = arith.constant 0 : i32
      %dma_wait3A_223 = tpu.memref_slice %arg6[%add3A, %dma_wait3A_222] : memref<16x16xf32, #tpu.memory_space<hbm>> -> memref<1x16xf32, #tpu.memory_space<hbm>>
      %dma_wait3A_224 = tpu.memref_squeeze %dma_wait3A_223 : memref<1x16xf32, #tpu.memory_space<hbm>> -> memref<16xf32, #tpu.memory_space<hbm>>
      %dma_wait3A_225 = arith.constant 0 : i32
      %dma_wait3A_226 = tpu.memref_slice %arg6[%add3A, %dma_wait3A_225] : memref<16x16xf32, #tpu.memory_space<hbm>> -> memref<1x16xf32, #tpu.memory_space<hbm>>
      %dma_wait3A_227 = tpu.memref_squeeze %dma_wait3A_226 : memref<1x16xf32, #tpu.memory_space<hbm>> -> memref<16xf32, #tpu.memory_space<hbm>>
      tpu.wait_dma2 semaphore(%run_scoped3A : memref<!tpu.dma_semaphore, #tpu.memory_space<semaphore_mem>>) src(%arg12 : memref<16xf32, #tpu.memory_space<vmem>>) dst(%dma_wait3A_227 : memref<16xf32, #tpu.memory_space<hbm>>)
      tpu.yield
    }) : () -> ()
    return
  }
}

module attributes {stable_mosaic.version = 14 : i64} {
  func.func @_dist_matrix_body(%arg0: memref<1000x128xf32, #tpu.memory_space<vmem>>, %arg1: memref<16384xi32, #tpu.memory_space<vmem>>, %arg2: memref<16384xi32, #tpu.memory_space<vmem>>, %arg3: memref<16384xi32, #tpu.memory_space<vmem>>, %arg4: memref<4096x128xi32, #tpu.memory_space<vmem>>, %arg5: memref<16384xi32, #tpu.memory_space<vmem>>, %arg6: memref<16384xi32, #tpu.memory_space<vmem>>, %arg7: memref<16384xi32, #tpu.memory_space<vmem>>) attributes {dimension_semantics = [], scalar_prefetch = 0 : i64, scratch_operands = 0 : i64, tpu.core_type = #tpu.core_type<tc>} {
    %get3A = arith.constant 0 : index
    %get3A_0 = vector.load %arg1[%get3A] : memref<16384xi32, #tpu.memory_space<vmem>>, vector<16384xi32>
    %and3A = arith.constant 511 : i32
    %and3A_1 = vector.broadcast %and3A : i32 to vector<16384xi32>
    %and3A_2 = arith.andi %get3A_0, %and3A_1 : vector<16384xi32>
    %mul3A = arith.constant 1024 : i32
    %mul3A_3 = vector.broadcast %mul3A : i32 to vector<16384xi32>
    %mul3A_4 = arith.muli %and3A_2, %mul3A_3 : vector<16384xi32>
    %get3A_5 = arith.constant 0 : index
    %get3A_6 = vector.load %arg2[%get3A_5] : memref<16384xi32, #tpu.memory_space<vmem>>, vector<16384xi32>
    %add3A = arith.addi %mul3A_4, %get3A_6 : vector<16384xi32>
    %swap3A = arith.constant 0 : index
    %swap3A_7 = vector.load %arg5[%swap3A] : memref<16384xi32, #tpu.memory_space<vmem>>, vector<16384xi32>
    tpu.vector_store %arg5[%swap3A], %add3A {strides = array<i32>} : memref<16384xi32, #tpu.memory_space<vmem>>, vector<16384xi32>,
    %get3A_8 = arith.constant 0 : index
    %get3A_9 = vector.load %arg3[%get3A_8] : memref<16384xi32, #tpu.memory_space<vmem>>, vector<16384xi32>
    %add3A_10 = arith.addi %mul3A_4, %get3A_9 : vector<16384xi32>
    %swap3A_11 = arith.constant 0 : index
    %swap3A_12 = vector.load %arg6[%swap3A_11] : memref<16384xi32, #tpu.memory_space<vmem>>, vector<16384xi32>
    tpu.vector_store %arg6[%swap3A_11], %add3A_10 {strides = array<i32>} : memref<16384xi32, #tpu.memory_space<vmem>>, vector<16384xi32>,
    %shift_right_arithmetic3A = arith.constant 9 : i32
    %shift_right_arithmetic3A_13 = vector.broadcast %shift_right_arithmetic3A : i32 to vector<16384xi32>
    %shift_right_arithmetic3A_14 = arith.shrsi %get3A_0, %shift_right_arithmetic3A_13 : vector<16384xi32>
    %sub3A = arith.constant 1 : i32
    %sub3A_15 = vector.broadcast %sub3A : i32 to vector<16384xi32>
    %sub3A_16 = arith.subi %sub3A_15, %shift_right_arithmetic3A_14 : vector<16384xi32>
    %shift_left3A = arith.constant 4 : i32
    %shift_left3A_17 = vector.broadcast %shift_left3A : i32 to vector<16384xi32>
    %shift_left3A_18 = arith.shli %sub3A_16, %shift_left3A_17 : vector<16384xi32>
    %swap3A_19 = arith.constant 0 : index
    %swap3A_20 = vector.load %arg7[%swap3A_19] : memref<16384xi32, #tpu.memory_space<vmem>>, vector<16384xi32>
    tpu.vector_store %arg7[%swap3A_19], %shift_left3A_18 {strides = array<i32>} : memref<16384xi32, #tpu.memory_space<vmem>>, vector<16384xi32>,
    %get3A_21 = arith.constant 0 : index
    %get3A_22 = arith.constant 0 : index
    %get3A_23 = vector.load %arg0[%get3A_21, %get3A_22] : memref<1000x128xf32, #tpu.memory_space<vmem>>, vector<1000x128xf32>
    %broadcast_in_dim3A = arith.constant 0.000000e+00 : f32
    %broadcast_in_dim3A_24 = vector.broadcast %broadcast_in_dim3A : f32 to vector<24x128xf32>
    %concatenate3A = tpu.concatenate %get3A_23, %broadcast_in_dim3A_24 in 0 : vector<1000x128xf32>, vector<24x128xf32> -> vector<1024x128xf32>
    %mul3A_25 = arith.mulf %concatenate3A, %concatenate3A : vector<1024x128xf32>
    %reduce_sum3A = arith.constant dense<0.000000e+00> : vector<1024xf32>
    %reduce_sum3A_26 = vector.multi_reduction <add>, %mul3A_25, %reduce_sum3A [1] : vector<1024x128xf32> to vector<1024xf32>
    %broadcast_in_dim3A_27 = vector.shape_cast %reduce_sum3A_26 : vector<1024xf32> to vector<1024x1xf32>
    %reduce_sum3A_28 = arith.constant dense<0.000000e+00> : vector<1024xf32>
    %reduce_sum3A_29 = vector.multi_reduction <add>, %concatenate3A, %reduce_sum3A_28 [1] : vector<1024x128xf32> to vector<1024xf32>
    %broadcast_in_dim3A_30 = vector.shape_cast %reduce_sum3A_29 : vector<1024xf32> to vector<1024x1xf32>
    %mul3A_31 = arith.constant 2.000000e-06 : f32
    %mul3A_32 = vector.broadcast %mul3A_31 : f32 to vector<1024x1xf32>
    %mul3A_33 = arith.mulf %mul3A_32, %broadcast_in_dim3A_30 : vector<1024x1xf32>
    %add3A_34 = arith.addf %broadcast_in_dim3A_27, %mul3A_33 : vector<1024x1xf32>
    %mul3A_35 = arith.constant 2.000000e-06 : f32
    %mul3A_36 = vector.broadcast %mul3A_35 : f32 to vector<1024x1xf32>
    %mul3A_37 = arith.mulf %mul3A_36, %broadcast_in_dim3A_30 : vector<1024x1xf32>
    %sub3A_38 = arith.subf %broadcast_in_dim3A_27, %mul3A_37 : vector<1024x1xf32>
    %add3A_39 = arith.constant 1.280000e-10 : f32
    %add3A_40 = vector.broadcast %add3A_39 : f32 to vector<1024x1xf32>
    %add3A_41 = arith.addf %sub3A_38, %add3A_40 : vector<1024x1xf32>
    %broadcast_in_dim3A_42 = arith.constant 1.000000e+00 : f32
    %broadcast_in_dim3A_43 = vector.broadcast %broadcast_in_dim3A_42 : f32 to vector<1024x1xf32>
    %mul3A_44 = arith.constant -2.000000e+00 : f32
    %mul3A_45 = vector.broadcast %mul3A_44 : f32 to vector<1024x128xf32>
    %mul3A_46 = arith.mulf %mul3A_45, %concatenate3A : vector<1024x128xf32>
    %concatenate3A_47 = tpu.concatenate %mul3A_46, %add3A_34, %broadcast_in_dim3A_43 in 1 : vector<1024x128xf32>, vector<1024x1xf32>, vector<1024x1xf32> -> vector<1024x130xf32>
    %concatenate3A_48 = tpu.concatenate %concatenate3A, %broadcast_in_dim3A_43, %add3A_41 in 1 : vector<1024x128xf32>, vector<1024x1xf32>, vector<1024x1xf32> -> vector<1024x130xf32>
    %dot_general3A = arith.constant dense<0.000000e+00> : vector<1024x1024xf32>
    %dot_general3A_49 = tpu.matmul %concatenate3A_47, %concatenate3A_48, %dot_general3A {dimension_numbers = #tpu.dot_dimension_numbers<[1], [1], [0], [0], [0, 0, 1, 0], [], []>, transpose_lhs_hint = false} : vector<1024x130xf32>, vector<1024x130xf32>, vector<1024x1024xf32> -> vector<1024x1024xf32>
    %bitcast_convert_type3A = tpu.bitcast %dot_general3A_49 : vector<1024x1024xf32> -> vector<1024x1024xi32>
    %add3A_50 = arith.constant 32767 : i32
    %add3A_51 = vector.broadcast %add3A_50 : i32 to vector<1024x1024xi32>
    %add3A_52 = arith.addi %bitcast_convert_type3A, %add3A_51 : vector<1024x1024xi32>
    %shift_right_logical3A = arith.constant 16 : i32
    %shift_right_logical3A_53 = vector.broadcast %shift_right_logical3A : i32 to vector<1024x1024xi32>
    %shift_right_logical3A_54 = arith.shrui %bitcast_convert_type3A, %shift_right_logical3A_53 : vector<1024x1024xi32>
    %and3A_55 = arith.constant 1 : i32
    %and3A_56 = vector.broadcast %and3A_55 : i32 to vector<1024x1024xi32>
    %and3A_57 = arith.andi %shift_right_logical3A_54, %and3A_56 : vector<1024x1024xi32>
    %add3A_58 = arith.addi %add3A_52, %and3A_57 : vector<1024x1024xi32>
    %shift_right_logical3A_59 = arith.constant 16 : i32
    %shift_right_logical3A_60 = vector.broadcast %shift_right_logical3A_59 : i32 to vector<1024x1024xi32>
    %shift_right_logical3A_61 = arith.shrui %add3A_58, %shift_right_logical3A_60 : vector<1024x1024xi32>
    %slice3A = vector.extract_strided_slice %shift_right_logical3A_61 {offsets = [0, 0], sizes = [512, 1024], strides = [1, 1]} : vector<1024x1024xi32> to vector<512x1024xi32>
    %slice3A_62 = vector.extract_strided_slice %shift_right_logical3A_61 {offsets = [512, 0], sizes = [512, 1024], strides = [1, 1]} : vector<1024x1024xi32> to vector<512x1024xi32>
    %shift_left3A_63 = arith.constant 16 : i32
    %shift_left3A_64 = vector.broadcast %shift_left3A_63 : i32 to vector<512x1024xi32>
    %shift_left3A_65 = arith.shli %slice3A_62, %shift_left3A_64 : vector<512x1024xi32>
    %or3A = arith.ori %slice3A, %shift_left3A_65 : vector<512x1024xi32>
    %reshape3A = vector.shape_cast %or3A : vector<512x1024xi32> to vector<4096x128xi32>
    %swap3A_66 = arith.constant 0 : index
    %swap3A_67 = arith.constant 0 : index
    %swap3A_68 = vector.load %arg4[%swap3A_66, %swap3A_67] : memref<4096x128xi32, #tpu.memory_space<vmem>>, vector<4096x128xi32>
    tpu.vector_store %arg4[%swap3A_66, %swap3A_67], %reshape3A {strides = array<i32>} : memref<4096x128xi32, #tpu.memory_space<vmem>>, vector<4096x128xi32>,
    return
  }
}

</mosaic_0001>

<sc_bundles>
// kernel: kernel.4.cloned.1.call-start
scs
__scs_entry_jumppad:
0x0: {  	(pc) =	sbr.rel $0x88, $3  }
0x1: {  	(tag) =	ssettag $0x0;
	lr =	simm.s32 $0x1  }
0x2: {  	[smem:$0x3F9D] =	sst lr;
	_ =	strace $0xD0000000  }
0x3: {  	_ = 	snop  }
0x4: {  	_ = 	snop  }
0x5: {  	_ = 	snop  }
0x6: {  	_ = 	snop  }
0x7: {  	_ = 	snop  }
__scs_overlays_trampoline_lowered:
0x8: {  	[smem:$0x3FAC] =	sst s0  }
0x9: {  	[smem:$0x3FAD] =	sst s1  }
0xa: {  	[smem:$0x3FAE] =	sst s2  }
0xb: {  	[smem:$0x3FAF] =	sst s3  }
0xc: {  	[smem:$0x3FB0] =	sst s4  }
0xd: {  	[smem:$0x3FB1] =	sst s5  }
0xe: {  	[smem:$0x3FB2] =	sst s6  }
0xf: {  	[smem:$0x3FB3] =	sst s7  }
0x10: {  	[smem:$0x3FB4] =	sst s8  }
0x11: {  	[smem:$0x3FB5] =	sst s9;
	s0 =	simm.s32 @!p0 $0x0  }
0x12: {  	s1 =	sld [smem:$0x3F9B];
	s0 =	simm.s32 @p0 $0x1  }
0x13: {  	[smem:$0x3FB6] =	sst s0;
	s0 =	simm.s32 @!p1 $0x0  }
0x14: {  	s2 =	sld [smem:$0x3F9A];
	s0 =	simm.s32 @p1 $0x1  }
0x15: {  	[smem:$0x3FB7] =	sst s0;
	s0 =	simm.s32 @!p2 $0x0  }
0x16: {  	s3 =	sld [smem:$0x3FDB];
	s0 =	simm.s32 @p2 $0x1  }
0x17: {  	s4 =	simm.s32 $0x1BF5;
	[smem:$0x3FB9] =	sst s0  }
0x18: {  	s0 =	sld [smem:$0x3F9C];
	_ =	swait.ge [sflag:s4], $0x0  }
0x19: {  	s7 =	sld [smem:$0x3F9D]  }
0x1a: {  	s8 =	sadd.s32 $0xFFFFE003, lr  }
0x1b: {  	s9 =	sadd.s32 $0xFFFFFEF7, lr;
	s5 =	simm.s32 $0xFFFFFFFF;
	p2 =	slt.u32 s8, $0xFFFFF086  }
0x1c: {  	p1 =	slt.u32 s9, $0xF7A;
	s5 =	simm.s32 @!p2 $0x0  }
0x1d: {  	s5 =	simm.s32 @p1 $0x1;
	p0 =	seq.s32 s7, s2  }
0x1e: {  	s7 =	smul.u32 @!p0 $0xF7A, s2;
	p2 =	seq.s32 @!p0 s5, $0x0  }
0x1f: {  	s9 =	smul.u32 $0xF7A, s1;
	s8 =	simm.s32 @!p0 $0x1BF5;
	p2 =	por !p2, p0  }
0x20: {  	[sflag:s8] =	ssyncset.s32 @!p0 $0xFFFFF086;
	s6 =	sadd.s32 @!p0 s3, s7;
	s7 =	simm.s32 @!p0 $0x108  }
0x21: {  	s3 =	sadd.s32 s3, s9;
	s6 =	sadd.s32 @!p0 $0x88, s6;
	s7 =	simm.s32 @p2 $0x1082  }
0x22: {  	[simem:s7], [sflag:s8] =	dma.local @!p0 [hbm:s6], $0xF7A  }
0x23: {  	s9 =	sor.u32 $0xD0000000, s2;
	s6 =	simm.s32 $0x108;
	_ =	swait.ge @!p0 [sflag:s8], $0x0  }
0x24: {  	s3 =	sadd.s32 $0x88, s3;
	s6 =	simm.s32 @!p1 $0x1082;
	[sflag:s4] =	ssyncset.s32 $0xFFFFF086  }
0x25: {  	[simem:s6], [sflag:s4] =	dma.local [hbm:s3], $0xF7A  }
0x26: {  	[smem:$0x3F9D] =	sst s1;
	(tag) =	ssettag s2;
	_ =	strace s9  }
0x27: {  	s1 =	sld [smem:$0x3FAD]  }
0x28: {  	s2 =	sld [smem:$0x3FAE]  }
0x29: {  	s4 =	sld [smem:$0x3FB0]  }
0x2a: {  	p0 =	seq.s32 s5, $0x0;
	s5 =	sld [smem:$0x3FB1]  }
0x2b: {  	s6 =	sld [smem:$0x3FB2]  }
0x2c: {  	s7 =	sld [smem:$0x3FB3]  }
0x2d: {  	s3 =	simm.s32 $0x108;
	s8 =	sld [smem:$0x3FB4]  }
0x2e: {  	s3 =	simm.s32 @!p0 $0x1082;
	s9 =	sld [smem:$0x3FB5]  }
0x2f: {  	lr =	sadd.s32 s0, s3;
	s0 =	sld [smem:$0x3FAC]  }
0x30: {  	s3 =	sld [smem:$0x3FAF]  }
0x31: {  	[smem:$0x3FB8] =	sst s10  }
0x32: {  	s10 =	sld [smem:$0x3FB6];
	_ =	sdelay $0x3  }
0x33: {  	p0 =	seq.s32 s10, $0x1;
	s10 =	sld [smem:$0x3FB8];
	_ =	sdelay $0x3  }
0x34: {  	[smem:$0x3FB8] =	sst s10  }
0x35: {  	s10 =	sld [smem:$0x3FB7];
	_ =	sdelay $0x3  }
0x36: {  	p1 =	seq.s32 s10, $0x1;
	s10 =	sld [smem:$0x3FB8];
	_ =	sdelay $0x3  }
0x37: {  	[smem:$0x3FB8] =	sst s10  }
0x38: {  	s10 =	sld [smem:$0x3FB9]  }
0x39: {  	_ = 	snop;
	(pc) =	sbr.ind lr, $3  }
0x3a: {  	_ = 	snop  }
0x3b: {  	_ = 	snop  }
0x3c: {  	p2 =	seq.s32 s10, $0x1;
	s10 =	sld [smem:$0x3FB8]  }
0x3d: {  	_ =	shalt  }
0x3e: {  	_ =	shalt  }
0x3f: {  	_ =	shalt  }
0x40: {  	_ =	shalt  }
0x41: {  	_ =	shalt  }
0x42: {  	_ =	shalt  }
0x43: {  	_ =	shalt  }
0x44: {  	_ =	shalt  }
0x45: {  	_ =	shalt  }
0x46: {  	_ =	shalt  }
0x47: {  	_ =	shalt  }
0x48: {  	_ =	shalt  }
0x49: {  	_ =	shalt  }
0x4a: {  	_ =	shalt  }
0x4b: {  	_ =	shalt  }
0x4c: {  	_ =	shalt  }
0x4d: {  	_ =	shalt  }
0x4e: {  	_ =	shalt  }
0x4f: {  	_ =	shalt  }
0x50: {  	_ =	shalt  }
0x51: {  	_ =	shalt  }
0x52: {  	_ =	shalt  }
0x53: {  	_ =	shalt  }
0x54: {  	_ =	shalt  }
0x55: {  	_ =	shalt  }
0x56: {  	_ =	shalt  }
0x57: {  	_ =	shalt  }
0x58: {  	_ =	shalt  }
0x59: {  	_ =	shalt  }
0x5a: {  	_ =	shalt  }
0x5b: {  	_ =	shalt  }
0x5c: {  	_ =	shalt  }
0x5d: {  	_ =	shalt  }
0x5e: {  	_ =	shalt  }
0x5f: {  	_ =	shalt  }
0x60: {  	_ =	shalt  }
0x61: {  	_ =	shalt  }
0x62: {  	_ =	shalt  }
0x63: {  	_ =	shalt  }
0x64: {  	_ =	shalt  }
0x65: {  	_ =	shalt  }
0x66: {  	_ =	shalt  }
0x67: {  	_ =	shalt  }
0x68: {  	_ =	shalt  }
0x69: {  	_ =	shalt  }
0x6a: {  	_ =	shalt  }
0x6b: {  	_ =	shalt  }
0x6c: {  	_ =	shalt  }
0x6d: {  	_ =	shalt  }
0x6e: {  	_ =	shalt  }
0x6f: {  	_ =	shalt  }
0x70: {  	_ =	shalt  }
0x71: {  	_ =	shalt  }
0x72: {  	_ =	shalt  }
0x73: {  	_ =	shalt  }
0x74: {  	_ =	shalt  }
0x75: {  	_ =	shalt  }
0x76: {  	_ =	shalt  }
0x77: {  	_ =	shalt  }
0x78: {  	_ =	shalt  }
0x79: {  	_ =	shalt  }
0x7a: {  	_ =	shalt  }
0x7b: {  	_ =	shalt  }
0x7c: {  	_ =	shalt  }
0x7d: {  	_ =	shalt  }
0x7e: {  	_ =	shalt  }
0x7f: {  	_ =	shalt  }
0x80: {  	_ =	shalt  }
0x81: {  	_ =	shalt  }
0x82: {  	_ =	shalt  }
0x83: {  	_ =	shalt  }
0x84: {  	_ =	shalt  }
0x85: {  	_ =	shalt  }
0x86: {  	_ =	shalt  }
0x87: {  	_ =	shalt  }
.Lfunc_end0:
.L_simem_size_0:
called_computation_lowered:
.L_overlay_start_0:
0x88: {  	s0 =	sld [smem:$0x3FD9]  }
0x89: {  	s1 =	sld [smem:$0x3FFE];
	_ =	sdelay $0x3  }
0x8a: {  	s0 =	sadd.s32 s1, s0  }
0x8b: {  	[smem:$0x3FC4] =	sst s0  }
0x8c: {  	_ = 	snop  }
0x8d: {  	(tm) =	ssettm $0x1  }
0x8e: {  	s15 =	sld [smem:$0x3FFB];
	_ =	sdelay $0x3  }
0x8f: {  	_ =	strace s15  }
0x90: {  	s0 =	sld [smem:$0x3FFC];
	_ =	sdelay $0x3  }
0x91: {  	_ =	strace s0  }
0x92: {  	s0 =	sld [smem:$0x3FFD];
	_ =	sdelay $0x3  }
0x93: {  	_ =	strace s0  }
0x94: {  	_ =	strace $0x8FFFFFFF  }
0x95: {  	s16 =	sld [smem:$0x3FDB];
	_ =	sdelay $0x1  }
0x96: {  	s17 =	simm.s32 $_scs_section_size  }
0x97: {  	s2 =	simm.s32 $_size__tile_overlayer_lowered;
	s3 =	simm.s32 $_tile_overlayer_lowered  }
0x98: {  	s20 =	simm.s32 $0x1BFF;
	s19 =	sshll.u32 s3, $0x1;
	s0 =	sadd.s32 s17, s16  }
0x99: {  	s4 =	simm.s32 $0x0;
	s18 =	sshll.u32 s2, $0x1;
	s2 =	sadd.s32 s19, s0  }
0x9a: {  	[timem:s4], [sflag:s20] =	dma.local [hbm:s2], s18  }
0x9b: {  	_ =	swait.ge [sflag:s20], s18  }
0x9c: {  	s1 =	ssub.s32 $0x0, s18;
	[sflag:s20] =	ssyncset.done $0x0  }
0x9d: {  	[sflag:s20] =	ssyncadd.s32 s1;
	_ =	sdelay $0x1  }
0x9e: {  	s21 =	simm.s32 $0x1B8B  }
0x9f: {  	_ =	swait.ge [sflag:s21], $0x1  }
0xa0: {  	[sflag:s21] =	ssyncset.done $0x0  }
0xa1: {  	s23 =	simm.s32 $0x1B8E;
	s22 =	sld [smem:$0x3FFE];
	[sflag:s21] =	ssyncadd.s32 $0xFFFFFFFF  }
0xa2: {  	s24 =	simm.s32 $execute0_lowered;
	[smem:$0x3FD2] =	sst s23  }
0xa3: {  	s2 =	sshll.u32 s24, $0x1;
	_ =	strace $0x80000046;
	[dreg:$0x1] =	wrdreg $0xFFFFFFFF  }
0xa4: {  	s25 =	simm.s32 $_size_execute0_lowered;
	s0 =	sadd.s32 s0, s2;
	[dreg:$0x0] =	wrdreg $0x0  }
0xa5: {  	s2 =	sshll.u32 s25, $0x1;
	[dreg:$0x2] =	wrdreg s0  }
0xa6: {  	[dreg:$0x3] =	wrdreg s2  }
0xa7: {  	[dreg:$0x4] =	wrdreg $0xC0  }
0xa8: {  	_ =	task [dreg:s4], $0x5FFFF  }
0xa9: {  	[dreg:$0x1] =	wrdreg $0xFFFFFFFF  }
0xaa: {  	[dreg:$0x0] =	wrdreg $0x60  }
0xab: {  	[dreg:$0x2] =	wrdreg s22  }
0xac: {  	[dreg:$0x3] =	wrdreg $0x9  }
0xad: {  	_ =	task.clear_ibuf [dreg:s4], $0x4FFFF;
	_ =	strace $0x90000046  }
0xae: {  	s26 =	simm.s32 $0x9;
	_ =	strace $0x80000048  }
0xaf: {  	_ =	swait.ge [sflag:s26], $0x1  }
0xb0: {  	[sflag:s26] =	ssyncadd.s32 $0xFFFFFFFF  }
0xb1: {  	_ =	strace $0x90000048  }
0xb2: {  	_ =	sfence  }
0xb3: {  	s28 =	sld [smem:$0x0];
	_ =	sdelay $0x1  }
0xb4: {  	s29 =	srdreg.scid  }
0xb5: {  	s30 =	sshll.u32 s29, $0xD;
	s31 =	sshrl.u32 s29, $0x2  }
0xb6: {  	s1 =	sand.u32 $0x1, s29;
	s2 =	sand.u32 $0x4000, s30;
	s0 =	sadd.s32 s31, s28  }
0xb7: {  	s1 =	sor.u32 s2, s1;
	s0 =	sshll.u32 s0, $0x11  }
0xb8: {  	s0 =	sor.u32 s0, s1  }
0xb9: {  	s0 =	sadd.s32 $0x8F2B, s0  }
0xba: {  	[sflag:s0] =	ssyncadd.remote.s32 $0x1  }
0xbb: {  	_ =	sfence.sel $0xFFFF  }
0xbc: {  	[dreg:$0x0] =	wrdreg $0xFFFFFFFF;
	(pc) =	sbr.abs _section_cstart, $3  }
0xbd: {  	[dreg:$0x1] =	wrdreg $0xFFFFFFFF  }
0xbe: {  	_ =	task.clear_ibuf [dreg:s4], $0x2FFFF;
	_ =	strace $0x9FFFFFFF  }
0xbf: {  	(tm) =	ssettm $0x7FFFFFFF  }
tec
execute0_lowered:
.L_overlay_start_1:
0x0: {  	(tag) =	ssettag $0x1  }
0x1: {  	s1 =	stileid.u32  }
0x2: {  	s2 =	rddreg [dreg:$0x0];
	s5 =	simm.s32 $0x0;
	s3 =	sshll.u32 s1, $0x7  }
0x3: {  	[smem:$0x7FF] =	sst s5;
	s3 =	sadd.s32 s3, s2  }
0x4: {  	s0 =	rddreg [dreg:$0x1];
	_ =	strace $0x80000047;
	s4 =	sadd.s32 $0x11200, s3  }
0x5: {  	[tilespmem:s5], [sflag:$0x1] =	stream.linear.gather [hbm4b:s4+s5], $0x400, $0x38;
	[tilespmem:$0x1480] =	vst v63  }
0x6: {  	s6 =	simm.s32 $0x400;
	s21 =	sadd.s32 $0x11A00, s3  }
0x7: {  	[tilespmem:s6], [sflag:$0x2] =	stream.linear.gather [hbm4b:s21+s5], $0x400, $0x38;
	[tilespmem:$0x1480] =	vst v63  }
0x8: {  	s22 =	simm.s32 $0x800;
	s3 =	sadd.s32 $0x12200, s3  }
0x9: {  	[tilespmem:s22], [sflag:$0x1] =	stream.linear.gather [hbm4b:s3+s5], $0x400, $0x38;
	[tilespmem:$0x1480] =	vst v63  }
0xa: {  	s3 =	simm.s32 $0x1  }
0xb: {  	_ =	swait.ge [sflag:s3], $0x400  }
0xc: {  	[sflag:s3] =	ssyncset.done $0x0  }
0xd: {  	s4 =	simm.s32 $0x2;
	[sflag:s3] =	ssyncadd.s32 $0xFFFFFC00  }
0xe: {  	_ =	swait.ge [sflag:s4], $0x400  }
0xf: {  	s8 =	simm.s32 $0x80;
	[sflag:s4] =	ssyncset.done $0x0  }
0x10: {  	s9 =	simm.s32 $0xC00;
	s7 =	sadd.s32 $0x1200, s2;
	[sflag:s4] =	ssyncadd.s32 $0xFFFFFC00  }
0x11: {  	[tilespmem:s9], [sflag:$0x1] =	stream.indirect.gather [hbm4b:s7+s8], $0x1, s5, s8, $0xb8;
	[tilespmem:$0x1480] =	vst v63  }
0x12: {  	s23 =	simm.s32 $0x1000  }
0x13: {  	[tilespmem:s23], [sflag:$0x2] =	stream.indirect.gather [hbm4b:s7+s8], $0x1, s6, s8, $0xb8;
	[tilespmem:$0x1480] =	vst v63  }
0x14: {  	s24 =	simm.s32 $0xC80  }
0x15: {  	[tilespmem:s24], [sflag:$0x1] =	stream.indirect.gather [hbm4b:s7+s8], $0x1, s8, s8, $0xb8;
	[tilespmem:$0x1480] =	vst v63  }
0x16: {  	s25 =	simm.s32 $0x480;
	s26 =	simm.s32 $0x1080  }
0x17: {  	[tilespmem:s26], [sflag:$0x2] =	stream.indirect.gather [hbm4b:s7+s8], $0x1, s25, s8, $0xb8;
	[tilespmem:$0x1480] =	vst v63  }
0x18: {  	s28 =	simm.s32 $0x100;
	s29 =	simm.s32 $0xD00  }
0x19: {  	[tilespmem:s29], [sflag:$0x1] =	stream.indirect.gather [hbm4b:s7+s8], $0x1, s28, s8, $0xb8;
	[tilespmem:$0x1480] =	vst v63  }
0x1a: {  	s30 =	simm.s32 $0x500;
	s31 =	simm.s32 $0x1100  }
0x1b: {  	[tilespmem:s31], [sflag:$0x2] =	stream.indirect.gather [hbm4b:s7+s8], $0x1, s30, s8, $0xb8;
	[tilespmem:$0x1480] =	vst v63  }
0x1c: {  	s9 =	simm.s32 $0xD80;
	s6 =	simm.s32 $0x180  }
0x1d: {  	[tilespmem:s9], [sflag:$0x1] =	stream.indirect.gather [hbm4b:s7+s8], $0x1, s6, s8, $0xb8;
	[tilespmem:$0x1480] =	vst v63  }
0x1e: {  	s10 =	simm.s32 $0x580;
	s11 =	simm.s32 $0x1180  }
0x1f: {  	[tilespmem:s11], [sflag:$0x2] =	stream.indirect.gather [hbm4b:s7+s8], $0x1, s10, s8, $0xb8;
	[tilespmem:$0x1480] =	vst v63  }
0x20: {  	s12 =	simm.s32 $0x200;
	s13 =	simm.s32 $0xE00  }
0x21: {  	[tilespmem:s13], [sflag:$0x1] =	stream.indirect.gather [hbm4b:s7+s8], $0x1, s12, s8, $0xb8;
	[tilespmem:$0x1480] =	vst v63  }
0x22: {  	s14 =	simm.s32 $0x600;
	s15 =	simm.s32 $0x1200  }
0x23: {  	[tilespmem:s15], [sflag:$0x2] =	stream.indirect.gather [hbm4b:s7+s8], $0x1, s14, s8, $0xb8;
	[tilespmem:$0x1480] =	vst v63  }
0x24: {  	s16 =	simm.s32 $0x280;
	s17 =	simm.s32 $0xE80  }
0x25: {  	[tilespmem:s17], [sflag:$0x1] =	stream.indirect.gather [hbm4b:s7+s8], $0x1, s16, s8, $0xb8;
	[tilespmem:$0x1480] =	vst v63  }
0x26: {  	s18 =	simm.s32 $0x680;
	s19 =	simm.s32 $0x1280  }
0x27: {  	[tilespmem:s19], [sflag:$0x2] =	stream.indirect.gather [hbm4b:s7+s8], $0x1, s18, s8, $0xb8;
	[tilespmem:$0x1480] =	vst v63  }
0x28: {  	s20 =	simm.s32 $0x300;
	s21 =	simm.s32 $0xF00  }
0x29: {  	[tilespmem:s21], [sflag:$0x1] =	stream.indirect.gather [hbm4b:s7+s8], $0x1, s20, s8, $0xb8;
	[tilespmem:$0x1480] =	vst v63  }
0x2a: {  	s22 =	simm.s32 $0x700;
	s23 =	simm.s32 $0x1300  }
0x2b: {  	[tilespmem:s23], [sflag:$0x2] =	stream.indirect.gather [hbm4b:s7+s8], $0x1, s22, s8, $0xb8;
	[tilespmem:$0x1480] =	vst v63  }
0x2c: {  	s24 =	simm.s32 $0x380;
	s25 =	simm.s32 $0xF80  }
0x2d: {  	[tilespmem:s25], [sflag:$0x1] =	stream.indirect.gather [hbm4b:s7+s8], $0x1, s24, s8, $0xb8;
	[tilespmem:$0x1480] =	vst v63  }
0x2e: {  	s26 =	simm.s32 $0x780;
	s28 =	simm.s32 $0x1380  }
0x2f: {  	[tilespmem:s28], [sflag:$0x2] =	stream.indirect.gather [hbm4b:s7+s8], $0x1, s26, s8, $0xb8;
	[tilespmem:$0x1480] =	vst v63  }
0x30: {  	_ =	swait.ge [sflag:s3], $0x400  }
0x31: {  	[sflag:s3] =	ssyncset.done $0x0  }
0x32: {  	[sflag:s3] =	ssyncadd.s32 $0xFFFFFC00  }
0x33: {  	_ =	swait.ge [sflag:s3], $0x80  }
0x34: {  	[sflag:s3] =	ssyncset.done $0x0  }
0x35: {  	[sflag:s3] =	ssyncadd.s32 $0xFFFFFF80  }
0x36: {  	_ =	swait.ge [sflag:s4], $0x80  }
0x37: {  	[sflag:s4] =	ssyncset.done $0x0  }
0x38: {  	[sflag:s4] =	ssyncadd.s32 $0xFFFFFF80  }
0x39: {  	_ =	swait.ge [sflag:s3], $0x80  }
0x3a: {  	[sflag:s3] =	ssyncset.done $0x0  }
0x3b: {  	[sflag:s3] =	ssyncadd.s32 $0xFFFFFF80  }
0x3c: {  	_ =	swait.ge [sflag:s4], $0x80  }
0x3d: {  	[sflag:s4] =	ssyncset.done $0x0  }
0x3e: {  	[sflag:s4] =	ssyncadd.s32 $0xFFFFFF80  }
0x3f: {  	_ =	swait.ge [sflag:s3], $0x80  }
0x40: {  	[sflag:s3] =	ssyncset.done $0x0  }
0x41: {  	[sflag:s3] =	ssyncadd.s32 $0xFFFFFF80  }
0x42: {  	_ =	swait.ge [sflag:s4], $0x80  }
0x43: {  	[sflag:s4] =	ssyncset.done $0x0  }
0x44: {  	[sflag:s4] =	ssyncadd.s32 $0xFFFFFF80  }
0x45: {  	_ =	swait.ge [sflag:s3], $0x80  }
0x46: {  	[sflag:s3] =	ssyncset.done $0x0  }
0x47: {  	[sflag:s3] =	ssyncadd.s32 $0xFFFFFF80  }
0x48: {  	_ =	swait.ge [sflag:s4], $0x80  }
0x49: {  	[sflag:s4] =	ssyncset.done $0x0  }
0x4a: {  	[sflag:s4] =	ssyncadd.s32 $0xFFFFFF80  }
0x4b: {  	_ =	swait.ge [sflag:s3], $0x80  }
0x4c: {  	[sflag:s3] =	ssyncset.done $0x0  }
0x4d: {  	[sflag:s3] =	ssyncadd.s32 $0xFFFFFF80  }
0x4e: {  	_ =	swait.ge [sflag:s4], $0x80  }
0x4f: {  	[sflag:s4] =	ssyncset.done $0x0  }
0x50: {  	[sflag:s4] =	ssyncadd.s32 $0xFFFFFF80  }
0x51: {  	_ =	swait.ge [sflag:s3], $0x80  }
0x52: {  	[sflag:s3] =	ssyncset.done $0x0  }
0x53: {  	[sflag:s3] =	ssyncadd.s32 $0xFFFFFF80  }
0x54: {  	_ =	swait.ge [sflag:s4], $0x80  }
0x55: {  	[sflag:s4] =	ssyncset.done $0x0  }
0x56: {  	[sflag:s4] =	ssyncadd.s32 $0xFFFFFF80  }
0x57: {  	_ =	swait.ge [sflag:s3], $0x80  }
0x58: {  	[sflag:s3] =	ssyncset.done $0x0  }
0x59: {  	[sflag:s3] =	ssyncadd.s32 $0xFFFFFF80  }
0x5a: {  	_ =	swait.ge [sflag:s4], $0x80  }
0x5b: {  	[sflag:s4] =	ssyncset.done $0x0  }
0x5c: {  	[sflag:s4] =	ssyncadd.s32 $0xFFFFFF80  }
0x5d: {  	_ =	swait.ge [sflag:s3], $0x80  }
0x5e: {  	[sflag:s3] =	ssyncset.done $0x0  }
0x5f: {  	[sflag:s3] =	ssyncadd.s32 $0xFFFFFF80  }
0x60: {  	_ =	swait.ge [sflag:s4], $0x80  }
0x61: {  	[sflag:s4] =	ssyncset.done $0x0  }
0x62: {  	s29 =	simm.s32 $0x0;
	[sflag:s4] =	ssyncadd.s32 $0xFFFFFF80  }
0x63: {  	v0 =	vld [tilespmem:s29+$0x800]  }
0x64: {  	v1 =	vld [tilespmem:s29+$0xC00]  }
0x65: {  	v2 =	vld [tilespmem:s29+$0x1000];
	_ =	sdelay $0x3  }
0x66: {  	v1 =	vshll.u32 v1, v0  }
0x67: {  	v0 =	vshll.u32 v2, v0;
	v1 =	vand.u32 $0xFFFF0000, v1  }
0x68: {  	v0 =	vand.u32 $0xFFFF0000, v0;
	v1 =	vmax.f32 v1, $0.0e+00  }
0x69: {  	v0 =	vmax.f32 v0, $0.0e+00;
	v12 =	vmul.f32 $5.000000000e-01, v1  }
0x6a: {  	s30 =	simm.s32 $0x10;
	v2 =	vshra.s32 v1, $0x1;
	v3 =	vshra.s32 v0, $0x1;
	v14 =	vmul.f32 $5.000000000e-01, v0  }
0x6b: {  	v4 =	vld [tilespmem:s30+$0x800];
	v2 =	vsub.s32 $0x5F3759DF, v2;
	v3 =	vsub.s32 $0x5F3759DF, v3  }
0x6c: {  	v6 =	vld [tilespmem:s30+$0xC00];
	v5 =	vmul.f32 v2, v12;
	v7 =	vmul.f32 v3, v14  }
0x6d: {  	v8 =	vld [tilespmem:s30+$0x1000]  }
0x6e: {  	v5 =	vmul.f32 v2, v5;
	v7 =	vmul.f32 v3, v7;
	_ =	sdelay $0x1  }
0x6f: {  	v5 =	vsub.f32 $1.500000000e+00, v5;
	v7 =	vsub.f32 $1.500000000e+00, v7  }
0x70: {  	v6 =	vshll.u32 v6, v4  }
0x71: {  	v9 =	vmul.f32 v2, v5;
	v2 =	vshll.u32 v8, v4;
	v7 =	vmul.f32 v3, v7  }
0x72: {  	v4 =	vand.u32 $0xFFFF0000, v6;
	v3 =	vand.u32 $0xFFFF0000, v2  }
0x73: {  	s31 =	simm.s32 $0x20;
	v2 =	vmax.f32 v4, $0.0e+00;
	v4 =	vmul.f32 v9, v12;
	v6 =	vmul.f32 v7, v14  }
0x74: {  	v11 =	vld [tilespmem:s31+$0x800];
	v5 =	vmul.f32 $5.000000000e-01, v2;
	v3 =	vmax.f32 v3, $0.0e+00  }
0x75: {  	v13 =	vld [tilespmem:s31+$0xC00];
	v8 =	vshra.s32 v2, $0x1;
	v4 =	vmul.f32 v4, v9;
	v15 =	vmul.f32 v6, v7  }
0x76: {  	v16 =	vld [tilespmem:s31+$0x1000];
	v10 =	vshra.s32 v3, $0x1;
	v8 =	vsub.s32 $0x5F3759DF, v8;
	v6 =	vmul.f32 $5.000000000e-01, v3  }
0x77: {  	v10 =	vsub.s32 $0x5F3759DF, v10;
	v18 =	vsub.f32 $1.500000000e+00, v4;
	v15 =	vsub.f32 $1.500000000e+00, v15  }
0x78: {  	v17 =	vmul.f32 v8, v5;
	v19 =	vmul.f32 v10, v6  }
0x79: {  	v4 =	vimm.f32 $0.0e+00;
	v9 =	vmul.f32 v18, v9;
	v7 =	vmul.f32 v15, v7  }
0x7a: {  	v17 =	vmul.f32 v8, v17;
	v18 =	vshll.u32 v13, v11;
	v19 =	vmul.f32 v10, v19  }
0x7b: {  	v15 =	vshll.u32 v16, v11;
	v13 =	vmul.f32 v9, v12;
	v12 =	vmul.f32 v7, v14  }
0x7c: {  	s2 =	sadd.s32 $0x12A00, s2;
	s3 =	simm.s32 $0xC0;
	v11 =	vsub.f32 $1.500000000e+00, v17;
	v16 =	vand.u32 $0xFFFF0000, v18;
	v14 =	vsub.f32 $1.500000000e+00, v19  }
.LBB2_1:
0x7d: {  	p0 =	sne.s32 s3, $0xFC0;
	v15 =	vand.u32 $0xFFFF0000, v15;
	v13 =	vmul.f32 v13, v9;
	v12 =	vmul.f32 v12, v7  }
0x7e: {  	v16 =	vmax.f32 v16, $0.0e+00;
	v11 =	vmul.f32 v8, v11;
	v14 =	vmul.f32 v10, v14  }
0x7f: {  	s4 =	sshra.s32 s3, $0x2;
	v17 =	vmul.f32 $5.000000000e-01, v16;
	v8 =	vsub.f32 $1.500000000e+00, v13;
	v10 =	vsub.f32 $1.500000000e+00, v12  }
0x80: {  	v13 =	vmax.f32 v15, $0.0e+00;
	v15 =	vmul.f32 v11, v5;
	v12 =	vld [tilespmem:s4+$0x800];
	v18 =	vmul.f32 v14, v6  }
0x81: {  	v20 =	vshra.s32 v16, $0x1;
	v19 =	vld [tilespmem:s4+$0xC00];
	v9 =	vmul.f32 v8, v9;
	v7 =	vmul.f32 v10, v7  }
0x82: {  	v10 =	vshra.s32 v13, $0x1;
	v15 =	vmul.f32 v15, v11;
	v18 =	vmul.f32 v18, v14  }
0x83: {  	v8 =	vsub.s32 $0x5F3759DF, v20;
	v21 =	vld [tilespmem:s4+$0x1000];
	v9 =	vmul.f32 v9, v1;
	v7 =	vmul.f32 v7, v0;
	v1 =	vmovc v2;
	v2 =	vmovc v16  }
0x84: {  	v20 =	vmul.f32 $5.000000000e-01, v13;
	v16 =	vmul.f32 v8, v17;
	v15 =	vsub.f32 $1.500000000e+00, v15;
	v0 =	vmovc v3;
	v3 =	vmovc v13  }
0x85: {  	v10 =	vsub.s32 $0x5F3759DF, v10;
	v13 =	vsub.f32 $1.500000000e+00, v18;
	v18 =	vsub.f32 v9, v7  }
.Ltmp0:
0x86: {  	v22 =	vmul.f32 v10, v20;
	v16 =	vmul.f32 v8, v16;
	v19 =	vshll.u32 v19, v12;
	(pc) =	sbr.rel @p0 .LBB2_1-.Ltmp0, $4  }
0x87: {  	v9 =	vmul.f32 v15, v11;
	v7 =	vmul.f32 v13, v14;
	v14 =	vadd.f32 $1.000000000e+00, v18  }
0x88: {  	v11 =	vsub.f32 $1.500000000e+00, v16;
	v18 =	vmul.f32 v10, v22;
	v15 =	vshll.u32 v21, v12  }
0x89: {  	v13 =	vmul.f32 v9, v5;
	v5 =	vmovc v17;
	v12 =	vmul.f32 v7, v6;
	v6 =	vmovc v20;
	v21 =	vmax.f32 v14, $0.0e+00  }
0x8a: {  	s3 =	sadd.s32 $0x40, s3;
	v16 =	vand.u32 $0xFFFF0000, v19;
	v14 =	vsub.f32 $1.500000000e+00, v18;
	v4 =	vadd.f32 v21, v4  }
0x8b: {  	v15 =	vand.u32 $0xFFFF0000, v15;
	v16 =	vmax.f32 v16, $0.0e+00  }
0x8c: {  	v17 =	vmul.f32 $5.000000000e-01, v16;
	v15 =	vmax.f32 v15, $0.0e+00  }
0x8d: {  	v18 =	vshra.s32 v16, $0x1;
	v19 =	vshra.s32 v15, $0x1;
	v20 =	vmul.f32 $5.000000000e-01, v15  }
0x8e: {  	v18 =	vsub.s32 $0x5F3759DF, v18;
	v19 =	vsub.s32 $0x5F3759DF, v19  }
0x8f: {  	v21 =	vmul.f32 v18, v17;
	v22 =	vmul.f32 v19, v20  }
0x90: {  	v8 =	vmul.f32 v8, v11;
	v36 =	vmul.f32 v13, v9  }
0x91: {  	v37 =	vmul.f32 v18, v21;
	v38 =	vmul.f32 v19, v22  }
0x92: {  	v12 =	vmul.f32 v12, v7;
	v10 =	vmul.f32 v10, v14;
	v11 =	vsub.f32 $1.500000000e+00, v36  }
0x93: {  	v39 =	vmul.f32 v8, v5;
	v13 =	vsub.f32 $1.500000000e+00, v37;
	v21 =	vsub.f32 $1.500000000e+00, v38  }
0x94: {  	v41 =	vmul.f32 v10, v6;
	v40 =	vmul.f32 v11, v9  }
0x95: {  	v13 =	vmul.f32 v18, v13;
	v42 =	vmul.f32 v19, v21  }
0x96: {  	v12 =	vsub.f32 $1.500000000e+00, v12;
	v14 =	vmul.f32 v39, v8;
	v11 =	vmul.f32 v41, v10  }
0x97: {  	v43 =	vmul.f32 v13, v17;
	v21 =	vmul.f32 v42, v20  }
0x98: {  	v44 =	vmul.f32 v12, v7;
	v45 =	vsub.f32 $1.500000000e+00, v14;
	v11 =	vsub.f32 $1.500000000e+00, v11  }
0x99: {  	v46 =	vmul.f32 v43, v13;
	v47 =	vmul.f32 v21, v42  }
0x9a: {  	v8 =	vmul.f32 v45, v8;
	v10 =	vmul.f32 v11, v10  }
0x9b: {  	v1 =	vmul.f32 v40, v1;
	v48 =	vsub.f32 $1.500000000e+00, v46;
	v49 =	vsub.f32 $1.500000000e+00, v47  }
0x9c: {  	v50 =	vmul.f32 v8, v5;
	v51 =	vmul.f32 v10, v6  }
0x9d: {  	v9 =	vmul.f32 v48, v13;
	v11 =	vmul.f32 v49, v42  }
0x9e: {  	v5 =	vmul.f32 v50, v8;
	v6 =	vmul.f32 v51, v10  }
0x9f: {  	v52 =	vmul.f32 v9, v17;
	v53 =	vmul.f32 v11, v20  }
0xa0: {  	v0 =	vmul.f32 v44, v0;
	v5 =	vsub.f32 $1.500000000e+00, v5;
	v6 =	vsub.f32 $1.500000000e+00, v6  }
0xa1: {  	v54 =	vmul.f32 v52, v9;
	v55 =	vmul.f32 v53, v11  }
0xa2: {  	v5 =	vmul.f32 v5, v8;
	v6 =	vmul.f32 v6, v10  }
0xa3: {  	v7 =	vsub.f32 $1.500000000e+00, v54;
	v56 =	vsub.f32 $1.500000000e+00, v55  }
0xa4: {  	v0 =	vsub.f32 v1, v0;
	v57 =	vmul.f32 v5, v2;
	v58 =	vmul.f32 v6, v3  }
0xa5: {  	v59 =	vmul.f32 v7, v9;
	v60 =	vmul.f32 v56, v11  }
0xa6: {  	v0 =	vadd.f32 $1.000000000e+00, v0  }
0xa7: {  	v1 =	vsub.f32 v57, v58;
	v61 =	vmul.f32 v59, v16;
	v62 =	vmul.f32 v60, v15;
	_ =	sdelay $0x1  }
0xa8: {  	v0 =	vmax.f32 v0, $0.0e+00;
	v1 =	vadd.f32 $1.000000000e+00, v1;
	v2 =	vsub.f32 v61, v62  }
0xa9: {  	v0 =	vadd.f32 v0, v4  }
0xaa: {  	v1 =	vmax.f32 v1, $0.0e+00;
	v2 =	vadd.f32 $1.000000000e+00, v2  }
0xab: {  	v0 =	vadd.f32 v1, v0  }
0xac: {  	v63 =	vmax.f32 v2, $0.0e+00  }
0xad: {  	v0 =	vadd.f32 v63, v0  }
0xae: {  	s3 =	sshll.u32 s1, $0x4;
	s30 =	simm.s32 $0x0  }
0xaf: {  	s4 =	simm.s32 $0x1400;
	s31 =	simm.s32 $0x3;
	s2 =	sadd.s32 s2, s3;
	[tilespmem:$0x1400] =	vst v0  }
0xb0: {  	[hbm4b:s2+s30] =	stream.linear.scatter [tilespmem:s4], [sflag:$0x3], $0x80, $0x38;
	[tilespmem:$0x1480] =	vst v63  }
0xb1: {  	_ =	swait.ge [sflag:s31], $0x80  }
0xb2: {  	[sflag:s31] =	ssyncset.done $0x0  }
0xb3: {  	[sflag:s31] =	ssyncadd.s32 $0xFFFFFF80  }
0xb4: {  	_ =	sfence.sel $0x180000  }
0xb5: {  	[bflag:$0x0] =	sbarrier.arrive $0xFFFF  }
0xb6: {  	p0 =	sne.s32 s1, $0x0;
	_ =	strace $0x90000047  }
0xb7: {  	s0 =	sadd.s32 @!p0 $0x100000, s0;
	[bflag:$0x2] =	sbarrier.arrive $0xFFFF  }
0xb8: {  	[sflag:s0] =	ssyncadd.tile.s32 @!p0 $0x1;
	_ =	shalt  }
.Lfunc_end2:
_tile_overlayer_lowered:
.L_overlay_start_2:
0xb9: {  	(tag) =	ssettag $0x2  }
0xba: {  	s0 =	rddreg [dreg:$0x0];
	s2 =	stileid.u32  }
0xbb: {  	s1 =	rddreg [dreg:$0x1];
	p0 =	sne.s32 s2, $0x0  }
0xbc: {  	s3 =	rddreg [dreg:$0x2];
	[bflag:$0x3] =	sbarrier.arrive $0xFFFF;
	s2 =	simm.s32 @!p0 $0x1C03  }
0xbd: {  	[timem:s3], [sflag:s2] =	dma.local @!p0 [hbm:s0], s1  }
0xbe: {  	s0 =	simm.s32 @!p0 $0x3  }
0xbf: {  	_ =	swait.ge @!p0 [sflag:s0], s1  }
0xc0: {  	s1 =	ssub.s32 @!p0 $0x0, s1;
	[sflag:s0] =	ssyncset.done @!p0 $0x0  }
0xc1: {  	[sflag:s0] =	ssyncadd.s32 @!p0 s1  }
0xc2: {  	[bflag:$0x3] =	sbarrier.arrive $0xFFFF  }
0xc3: {  	_ =	shalt  }

</sc_bundles>
